<compile_context>
chip_gen: v7x
topology: tpu7x:2x2x1
jax: 0.10.2.dev20260603
libtpu: 0.0.44.dev20260713+nightly
codegen_flags: <defaults>
</compile_context>

<pallas_src>
import functools

import jax
import jax.numpy as jnp
from jax import lax
from jax.experimental import pallas as pl
from jax.experimental.pallas import tpu as pltpu
from jax.experimental.pallas import tpu_sc as plsc

_NC, _NS = 2, 16
_NW = _NC * _NS
_CHUNK = 128
_L = 16


def _tc_dist_body(x_ref, w_ref, idxm_ref, idxg_ref, sc_ref, waug_ref,
                  wt2_ref, w2_ref, acc_ref, *, nb, k, bm):
    i = pl.program_id(0)

    @pl.when(i == 0)
    def _init():
        acc_ref[0] = 0.0
        wt2_ref[...] = jnp.transpose(w_ref[...]) * 2.0
        wt0 = wt2_ref[...]
        w2_ref[...] = jnp.sum(wt0 * wt0, axis=0, keepdims=True) * 0.25
        waug_ref[...] = jnp.concatenate(
            [w_ref[...], jnp.zeros((8, w_ref.shape[1]), jnp.float32)], axis=0)

    x = x_ref[...]
    x2 = jnp.sum(x * x, axis=1, keepdims=True)
    xw2 = lax.dot_general(x, wt2_ref[...], (((1,), (0,)), ((), ())),
                          preferred_element_type=jnp.float32)
    dist = (x2 + w2_ref[...]) - xw2

    idx = jnp.argmin(dist, axis=1, keepdims=True)
    valid = jnp.sqrt(x2) > 1e-06

    idx_t = jnp.reshape(idx, (bm,))
    valid_t = jnp.reshape(valid, (bm,))

    idxm_ref[pl.ds(i * bm, bm)] = jnp.where(valid_t, idx_t, 0)
    idxg_ref[pl.ds(i * bm, bm)] = jnp.where(valid_t, idx_t, k)
    acc_ref[0] += jnp.sum(valid_t.astype(jnp.float32))

    @pl.when(i == nb - 1)
    def _fin():
        sc_ref[0] = jnp.maximum(acc_ref[0], 1.0)


def _sc_gather_body(idxg_hbm, w_hbm, x_hbm, qst_hbm, hist_hbm, md_hbm, sq_hbm,
                    idx_v, idx1, rows_v, x_v, md_v, sq_v, ones_v, zeros_v,
                    hist_sh, sem, *, rpw, hist_pad, k, d):
    cid = lax.axis_index("c")
    sid = lax.axis_index("s")
    wid = sid * _NC + cid
    base = wid * rpw
    nchunks = rpw // _CHUNK
    ngroups = rpw // _L
    stripe = hist_pad // _NS

    zero16 = jnp.zeros((_L,), jnp.float32)

    def _zero(i, carry):
        zeros_v[pl.ds(i * _L, _L)] = zero16
        return carry

    lax.fori_loop(0, stripe // _L, _zero, 0)
    pltpu.sync_copy(zeros_v, hist_sh.at[pl.ds(sid * stripe, stripe)])

    one16 = jnp.ones((_L,), jnp.float32)

    def _ones(i, carry):
        ones_v[pl.ds(i * _L, _L)] = one16
        return carry

    lax.fori_loop(0, _CHUNK // _L, _ones, 0)

    for c in range(nchunks):
        pltpu.sync_copy(idxg_hbm.at[pl.ds(base + c * _CHUNK, _CHUNK)],
                        idx_v.at[c])
    pltpu.sync_copy(idxg_hbm.at[pl.ds(base, rpw)], idx1)
    pltpu.sync_copy(x_hbm.at[pl.ds(base * d, rpw * d)], x_v)
    for c in range(nchunks):
        pltpu.async_copy(w_hbm.at[idx_v.at[c]],
                         rows_v.at[pl.ds(c * _CHUNK, _CHUNK)], sem).wait()
    pltpu.sync_copy(rows_v, qst_hbm.at[pl.ds(base, rpw)])

    iota16 = lax.broadcasted_iota(jnp.int32, (_L,), 0)

    def _group(g, sqacc):
        row16 = iota16 + g * _L
        xoff = row16 * d

        md16 = jnp.zeros((_L,), jnp.float32)
        for j in range(d):
            colj = jnp.zeros((_L,), jnp.int32) + j
            xj = plsc.load_gather(x_v, [xoff + colj])
            qj = plsc.load_gather(rows_v, [row16, colj])
            dj = xj - qj
            md16 = md16 + dj * dj
        idx16 = idx1[pl.ds(g * _L, _L)]
        md16 = jnp.where(idx16 < k, md16, 0.0)
        md_v[pl.ds(g * _L, _L)] = md16
        return sqacc + md16

    sqacc = lax.fori_loop(0, ngroups, _group, jnp.zeros((_L,), jnp.float32))
    sq_v[...] = sqacc
    pltpu.sync_copy(sq_v, sq_hbm.at[wid])
    pltpu.sync_copy(md_v, md_hbm.at[pl.ds(base, rpw)])

    plsc.subcore_barrier()
    for c in range(nchunks):
        pltpu.sync_copy(ones_v, hist_sh.at[idx_v.at[c]], add=True)
    plsc.subcore_barrier()

    @pl.when(sid == 0)
    def _emit():
        pltpu.sync_copy(hist_sh, hist_hbm.at[cid])


def _tc_final_body(hist_ref, sq_ref, sc1_ref, idxm_ref, md_ref,
                   out_ref, ind_ref, mind_ref, *, k, d, rows, cols):
    counts = jnp.sum(hist_ref[...][:, :k], axis=0, keepdims=True)
    nv = sc1_ref[0]
    loss_vq = jnp.sum(sq_ref[...]) / (nv * d)
    p = counts / nv
    entropy = jnp.sum(p * jnp.log(p + 1e-10))
    perplexity = jnp.exp(-entropy)
    perplexity_loss = -jnp.log(perplexity + 1e-10)
    out_ref[0] = loss_vq + 0.01 * perplexity_loss
    out_ref[1] = loss_vq
    out_ref[2] = perplexity_loss
    out_ref[3] = perplexity
    ind_ref[...] = jnp.reshape(idxm_ref[...], (rows, cols))
    mind_ref[...] = jnp.reshape(md_ref[...], (rows, cols))


@jax.jit
def kernel(inputs, W):
    d = W.shape[1]
    K = W.shape[0]
    flat = inputs.reshape(-1, d)
    M = flat.shape[0]
    BM = 512
    nb = M // BM
    rpw = M // _NW
    hist_pad = K + 512

    idxm, idxg, sc1, w_aug = pl.pallas_call(
        functools.partial(_tc_dist_body, nb=nb, k=K, bm=BM),
        grid=(nb,),
        in_specs=[
            pl.BlockSpec((BM, d), lambda i: (i, 0)),
            pl.BlockSpec((K, d), lambda i: (0, 0)),
        ],
        out_specs=[
            pl.BlockSpec((M,), lambda i: (0,)),
            pl.BlockSpec((M,), lambda i: (0,)),
            pl.BlockSpec(memory_space=pltpu.SMEM),
            pl.BlockSpec((K + 8, d), lambda i: (0, 0)),
        ],
        out_shape=[
            jax.ShapeDtypeStruct((M,), jnp.int32),
            jax.ShapeDtypeStruct((M,), jnp.int32),
            jax.ShapeDtypeStruct((1,), jnp.float32),
            jax.ShapeDtypeStruct((K + 8, d), jnp.float32),
        ],
        scratch_shapes=[pltpu.VMEM((d, K), jnp.float32),
                        pltpu.VMEM((1, K), jnp.float32),
                        pltpu.SMEM((1,), jnp.float32)],
    )(flat, W)

    x1d = inputs.reshape(-1)

    qst, hist, md, sq = pl.kernel(
        functools.partial(_sc_gather_body, rpw=rpw, hist_pad=hist_pad,
                          k=K, d=d),
        out_type=[
            jax.ShapeDtypeStruct((M, d), jnp.float32),
            jax.ShapeDtypeStruct((_NC, hist_pad), jnp.float32),
            jax.ShapeDtypeStruct((M,), jnp.float32),
            jax.ShapeDtypeStruct((_NW, _L), jnp.float32),
        ],
        mesh=plsc.VectorSubcoreMesh(core_axis_name="c", subcore_axis_name="s"),
        scratch_types=[
            pltpu.VMEM((rpw // _CHUNK, _CHUNK), jnp.int32),
            pltpu.VMEM((rpw,), jnp.int32),
            pltpu.VMEM((rpw, d), jnp.float32),
            pltpu.VMEM((rpw * d,), jnp.float32),
            pltpu.VMEM((rpw,), jnp.float32),
            pltpu.VMEM((_L,), jnp.float32),
            pltpu.VMEM((_CHUNK,), jnp.float32),
            pltpu.VMEM((hist_pad // _NS,), jnp.float32),
            pltpu.VMEM_SHARED((hist_pad,), jnp.float32),
            pltpu.SemaphoreType.DMA,
        ],
        compiler_params=pltpu.CompilerParams(use_tc_tiling_on_sc=False,
                                             needs_layout_passes=False),
    )(idxg, w_aug, x1d)

    rows, cols = inputs.shape[:-1]
    sc3, indices, mind = pl.pallas_call(
        functools.partial(_tc_final_body, k=K, d=d, rows=rows, cols=cols),
        in_specs=[
            pl.BlockSpec((_NC, hist_pad), lambda: (0, 0)),
            pl.BlockSpec((_NW, _L), lambda: (0, 0)),
            pl.BlockSpec(memory_space=pltpu.SMEM),
            pl.BlockSpec((M,), lambda: (0,)),
            pl.BlockSpec((M,), lambda: (0,)),
        ],
        out_specs=[
            pl.BlockSpec(memory_space=pltpu.SMEM),
            pl.BlockSpec((rows, cols), lambda: (0, 0)),
            pl.BlockSpec((rows, cols), lambda: (0, 0)),
        ],
        out_shape=[
            jax.ShapeDtypeStruct((4,), jnp.float32),
            jax.ShapeDtypeStruct((rows, cols), jnp.int32),
            jax.ShapeDtypeStruct((rows, cols), jnp.float32),
        ],
    )(hist, sq, sc1, idxm, md)

    return (qst.reshape(inputs.shape), sc3[0], idxm,
            indices, mind, sc3[1], sc3[2], sc3[3])

# --- scband reference (transcript-rebuilt; emitter-appended) ---
"""Pipeline reference for scband-vector-quantizer-49675591746039 (READ-ONLY COPY).

The authoritative reference and input builder live on the scoring server;
editing this copy changes nothing except your own understanding.
"""

import jax, jax.numpy as jnp
import numpy as np


def setup_inputs(seed: int = 0) -> dict:
    key = jax.random.key(seed)
    k1, k2 = jax.random.split(key)
    inputs = jax.random.normal(k1, (8, 1024, 32), dtype=jnp.float32)
    W = jax.random.normal(k2, (8192, 32), dtype=jnp.float32) * 0.05
    return {"inputs": inputs, "W": W}


def reference(inputs, W):
    d = W.shape[1]
    K = W.shape[0]
    flat = inputs.reshape(-1, d)
    valid = jnp.linalg.norm(flat, axis=1) > 1e-06
    n_valid = jnp.maximum(jnp.sum(valid), 1)
    distances = (jnp.sum(flat ** 2, axis=1, keepdims=True)
                 + jnp.sum(W ** 2, axis=1)
                 - 2.0 * jnp.matmul(flat, W.T))
    min_d = jnp.min(distances, axis=1)
    idx = jnp.argmin(distances, axis=1)
    quant = jnp.take(W, idx, axis=0)
    maskf = valid.astype(flat.dtype)[:, None]
    quant_flat = quant * maskf
    idx_flat = jnp.where(valid, idx, 0)
    min_d_flat = jnp.where(valid, min_d, 0.0)
    quantized = quant_flat.reshape(inputs.shape)
    indices = idx_flat.reshape(inputs.shape[:-1])
    min_distances = min_d_flat.reshape(inputs.shape[:-1])
    denom = n_valid.astype(flat.dtype) * d
    loss_vq = jnp.sum(maskf * (quant - jax.lax.stop_gradient(flat)) ** 2) / denom
    loss_commit = jnp.sum(maskf * (flat - jax.lax.stop_gradient(quant)) ** 2) / denom
    loss = loss_commit * 0.0 + loss_vq
    quantized_st = inputs + jax.lax.stop_gradient(quantized - inputs)
    onehot = jax.nn.one_hot(idx, K, dtype=flat.dtype) * maskf
    avg_probs = jnp.sum(onehot, axis=0) / n_valid.astype(flat.dtype)
    perplexity = jnp.exp(-jnp.sum(avg_probs * jnp.log(avg_probs + 1e-10)))
    perplexity_loss = -jnp.log(perplexity + 1e-10)
    total_loss = loss + 0.01 * perplexity_loss
    return (quantized_st, total_loss, idx_flat, indices, min_distances, loss_commit, perplexity_loss, perplexity)

if __name__ == "__main__":
    import jax
    _d = setup_inputs()
    print(jax.jit(kernel)(*tuple(_d.values())))

</pallas_src>

<mosaic_0001>
#map = affine_map<(d0, d1) -> (0)>
#map1 = affine_map<(d0, d1) -> (0, 0)>
module attributes {stable_mosaic.version = 14 : i64} {
  func.func @_sc_gather_body(%arg0: i32, %arg1: i32, %arg2: memref<8192xi32, #tpu.memory_space<hbm>>, %arg3: memref<8200x32xf32, #tpu.memory_space<hbm>>, %arg4: memref<262144xf32, #tpu.memory_space<hbm>>, %arg5: memref<8192x32xf32, #tpu.memory_space<hbm>>, %arg6: memref<2x8704xf32, #tpu.memory_space<hbm>>, %arg7: memref<8192xf32, #tpu.memory_space<hbm>>, %arg8: memref<32x16xf32, #tpu.memory_space<hbm>>, %arg9: memref<2x128xi32, #tpu.memory_space<vmem>>, %arg10: memref<256xi32, #tpu.memory_space<vmem>>, %arg11: memref<256x32xf32, #tpu.memory_space<vmem>>, %arg12: memref<8192xf32, #tpu.memory_space<vmem>>, %arg13: memref<256xf32, #tpu.memory_space<vmem>>, %arg14: memref<16xf32, #tpu.memory_space<vmem>>, %arg15: memref<128xf32, #tpu.memory_space<vmem>>, %arg16: memref<544xf32, #tpu.memory_space<vmem>>, %arg17: memref<8704xf32, #tpu.memory_space<vmem_shared>>, %arg18: memref<!tpu.dma_semaphore, #tpu.memory_space<semaphore_mem>>) attributes {dimension_semantics = [#tpu.dimension_semantics<core_parallel>, #tpu.dimension_semantics<subcore_parallel>], iteration_bounds = array<i64: 2, 16>, scalar_prefetch = 0 : i64, scratch_operands = 10 : i64, tpu.core_type = #tpu.core_type<sc_vector_subcore>, window_params = [{transform_indices = #map}, {transform_indices = #map1}, {transform_indices = #map}, {transform_indices = #map1}, {transform_indices = #map1}, {transform_indices = #map}, {transform_indices = #map1}]} {
    %mul3A = arith.constant 2 : i32
    %mul3A_0 = arith.muli %arg1, %mul3A : i32
    %add3A = arith.addi %mul3A_0, %arg0 : i32
    %mul3A_1 = arith.constant 256 : i32
    %mul3A_2 = arith.muli %add3A, %mul3A_1 : i32
    %broadcast_in_dim3A = arith.constant 0.000000e+00 : f32
    %broadcast_in_dim3A_3 = vector.broadcast %broadcast_in_dim3A : f32 to vector<16xf32>
    %scan3A = arith.constant 0 : i32
    %scan3A_4 = arith.constant 0 : i32
    %scan3A_5 = arith.constant 34 : i32
    %scan3A_6 = arith.addi %scan3A_4, %scan3A_5 : i32
    %scan3A_7 = arith.constant 1 : i32
    scf.for %scan3A_78 = %scan3A_4 to %scan3A_6 step %scan3A_7  : i32 {
      %mul3A_79 = arith.constant 16 : i32
      %mul3A_80 = arith.muli %scan3A_78, %mul3A_79 : i32
      %swap3A_81 = arith.index_cast %mul3A_80 : i32 to index
      %swap3A_82 = tpu.vector_load %arg16[%swap3A_81] {strides = array<i32>} : memref<544xf32, #tpu.memory_space<vmem>>, vector<16xf32>,
      tpu.vector_store %arg16[%swap3A_81], %broadcast_in_dim3A_3 {strides = array<i32>} : memref<544xf32, #tpu.memory_space<vmem>>, vector<16xf32>,
    }
    %scan3A_8 = arith.constant 34 : i32
    %mul3A_9 = arith.constant 544 : i32
    %mul3A_10 = arith.muli %arg1, %mul3A_9 : i32
    "tpu.region"() ({
      %run_scoped3A_78 = tpu.sem_alloc : memref<!tpu.dma_semaphore, #tpu.memory_space<semaphore_mem>>
      %dma_start3A_79 = tpu.memref_slice %arg17[%mul3A_10] : memref<8704xf32, #tpu.memory_space<vmem_shared>> -> memref<544xf32, #tpu.memory_space<vmem_shared>>
      %dma_start3A_80 = tpu.memref_slice %arg17[%mul3A_10] : memref<8704xf32, #tpu.memory_space<vmem_shared>> -> memref<544xf32, #tpu.memory_space<vmem_shared>>
      tpu.enqueue_dma source(%arg16 : memref<544xf32, #tpu.memory_space<vmem>>) target(%dma_start3A_80 : memref<544xf32, #tpu.memory_space<vmem_shared>>) target_semaphore(%run_scoped3A_78 : memref<!tpu.dma_semaphore, #tpu.memory_space<semaphore_mem>>)
      %dma_wait3A_81 = tpu.memref_slice %arg17[%mul3A_10] : memref<8704xf32, #tpu.memory_space<vmem_shared>> -> memref<544xf32, #tpu.memory_space<vmem_shared>>
      %dma_wait3A_82 = tpu.memref_slice %arg17[%mul3A_10] : memref<8704xf32, #tpu.memory_space<vmem_shared>> -> memref<544xf32, #tpu.memory_space<vmem_shared>>
      tpu.wait_dma2 semaphore(%run_scoped3A_78 : memref<!tpu.dma_semaphore, #tpu.memory_space<semaphore_mem>>) src(%arg16 : memref<544xf32, #tpu.memory_space<vmem>>) dst(%dma_wait3A_82 : memref<544xf32, #tpu.memory_space<vmem_shared>>)
      tpu.yield
    }) : () -> ()
    %broadcast_in_dim3A_11 = arith.constant 1.000000e+00 : f32
    %broadcast_in_dim3A_12 = vector.broadcast %broadcast_in_dim3A_11 : f32 to vector<16xf32>
    %scan3A_13 = arith.constant 0 : i32
    %scan3A_14 = arith.constant 0 : i32
    %scan3A_15 = arith.constant 8 : i32
    %scan3A_16 = arith.addi %scan3A_14, %scan3A_15 : i32
    %scan3A_17 = arith.constant 1 : i32
    scf.for %scan3A_78 = %scan3A_14 to %scan3A_16 step %scan3A_17  : i32 {
      %mul3A_79 = arith.constant 16 : i32
      %mul3A_80 = arith.muli %scan3A_78, %mul3A_79 : i32
      %swap3A_81 = arith.index_cast %mul3A_80 : i32 to index
      %swap3A_82 = tpu.vector_load %arg15[%swap3A_81] {strides = array<i32>} : memref<128xf32, #tpu.memory_space<vmem>>, vector<16xf32>,
      tpu.vector_store %arg15[%swap3A_81], %broadcast_in_dim3A_12 {strides = array<i32>} : memref<128xf32, #tpu.memory_space<vmem>>, vector<16xf32>,
    }
    %scan3A_18 = arith.constant 8 : i32
    %add3A_19 = arith.constant 0 : i32
    %add3A_20 = arith.addi %mul3A_2, %add3A_19 : i32
    %run_scoped3A = arith.constant 0 : i32
    "tpu.region"() ({
      %run_scoped3A_78 = tpu.sem_alloc : memref<!tpu.dma_semaphore, #tpu.memory_space<semaphore_mem>>
      %dma_start3A_79 = arith.constant 0 : i32
      %dma_start3A_80 = tpu.memref_slice %arg9[%run_scoped3A, %dma_start3A_79] : memref<2x128xi32, #tpu.memory_space<vmem>> -> memref<1x128xi32, #tpu.memory_space<vmem>>
      %dma_start3A_81 = tpu.memref_squeeze %dma_start3A_80 : memref<1x128xi32, #tpu.memory_space<vmem>> -> memref<128xi32, #tpu.memory_space<vmem>>
      %dma_start3A_82 = tpu.memref_slice %arg2[%add3A_20] : memref<8192xi32, #tpu.memory_space<hbm>> -> memref<128xi32, #tpu.memory_space<hbm>>
      %dma_start3A_83 = arith.constant 0 : i32
      %dma_start3A_84 = tpu.memref_slice %arg9[%run_scoped3A, %dma_start3A_83] : memref<2x128xi32, #tpu.memory_space<vmem>> -> memref<1x128xi32, #tpu.memory_space<vmem>>
      %dma_start3A_85 = tpu.memref_squeeze %dma_start3A_84 : memref<1x128xi32, #tpu.memory_space<vmem>> -> memref<128xi32, #tpu.memory_space<vmem>>
      %dma_start3A_86 = tpu.memref_slice %arg2[%add3A_20] : memref<8192xi32, #tpu.memory_space<hbm>> -> memref<128xi32, #tpu.memory_space<hbm>>
      tpu.enqueue_dma source(%dma_start3A_86 : memref<128xi32, #tpu.memory_space<hbm>>) target(%dma_start3A_85 : memref<128xi32, #tpu.memory_space<vmem>>) target_semaphore(%run_scoped3A_78 : memref<!tpu.dma_semaphore, #tpu.memory_space<semaphore_mem>>)
      %dma_wait3A_87 = arith.constant 0 : i32
      %dma_wait3A_88 = tpu.memref_slice %arg9[%run_scoped3A, %dma_wait3A_87] : memref<2x128xi32, #tpu.memory_space<vmem>> -> memref<1x128xi32, #tpu.memory_space<vmem>>
      %dma_wait3A_89 = tpu.memref_squeeze %dma_wait3A_88 : memref<1x128xi32, #tpu.memory_space<vmem>> -> memref<128xi32, #tpu.memory_space<vmem>>
      %dma_wait3A_90 = tpu.memref_slice %arg2[%add3A_20] : memref<8192xi32, #tpu.memory_space<hbm>> -> memref<128xi32, #tpu.memory_space<hbm>>
      %dma_wait3A_91 = arith.constant 0 : i32
      %dma_wait3A_92 = tpu.memref_slice %arg9[%run_scoped3A, %dma_wait3A_91] : memref<2x128xi32, #tpu.memory_space<vmem>> -> memref<1x128xi32, #tpu.memory_space<vmem>>
      %dma_wait3A_93 = tpu.memref_squeeze %dma_wait3A_92 : memref<1x128xi32, #tpu.memory_space<vmem>> -> memref<128xi32, #tpu.memory_space<vmem>>
      %dma_wait3A_94 = tpu.memref_slice %arg2[%add3A_20] : memref<8192xi32, #tpu.memory_space<hbm>> -> memref<128xi32, #tpu.memory_space<hbm>>
      tpu.wait_dma2 semaphore(%run_scoped3A_78 : memref<!tpu.dma_semaphore, #tpu.memory_space<semaphore_mem>>) src(%dma_wait3A_94 : memref<128xi32, #tpu.memory_space<hbm>>) dst(%dma_wait3A_93 : memref<128xi32, #tpu.memory_space<vmem>>)
      tpu.yield
    }) : () -> ()
    %add3A_21 = arith.constant 128 : i32
    %add3A_22 = arith.addi %mul3A_2, %add3A_21 : i32
    %run_scoped3A_23 = arith.constant 1 : i32
    "tpu.region"() ({
      %run_scoped3A_78 = tpu.sem_alloc : memref<!tpu.dma_semaphore, #tpu.memory_space<semaphore_mem>>
      %dma_start3A_79 = arith.constant 0 : i32
      %dma_start3A_80 = tpu.memref_slice %arg9[%run_scoped3A_23, %dma_start3A_79] : memref<2x128xi32, #tpu.memory_space<vmem>> -> memref<1x128xi32, #tpu.memory_space<vmem>>
      %dma_start3A_81 = tpu.memref_squeeze %dma_start3A_80 : memref<1x128xi32, #tpu.memory_space<vmem>> -> memref<128xi32, #tpu.memory_space<vmem>>
      %dma_start3A_82 = tpu.memref_slice %arg2[%add3A_22] : memref<8192xi32, #tpu.memory_space<hbm>> -> memref<128xi32, #tpu.memory_space<hbm>>
      %dma_start3A_83 = arith.constant 0 : i32
      %dma_start3A_84 = tpu.memref_slice %arg9[%run_scoped3A_23, %dma_start3A_83] : memref<2x128xi32, #tpu.memory_space<vmem>> -> memref<1x128xi32, #tpu.memory_space<vmem>>
      %dma_start3A_85 = tpu.memref_squeeze %dma_start3A_84 : memref<1x128xi32, #tpu.memory_space<vmem>> -> memref<128xi32, #tpu.memory_space<vmem>>
      %dma_start3A_86 = tpu.memref_slice %arg2[%add3A_22] : memref<8192xi32, #tpu.memory_space<hbm>> -> memref<128xi32, #tpu.memory_space<hbm>>
      tpu.enqueue_dma source(%dma_start3A_86 : memref<128xi32, #tpu.memory_space<hbm>>) target(%dma_start3A_85 : memref<128xi32, #tpu.memory_space<vmem>>) target_semaphore(%run_scoped3A_78 : memref<!tpu.dma_semaphore, #tpu.memory_space<semaphore_mem>>)
      %dma_wait3A_87 = arith.constant 0 : i32
      %dma_wait3A_88 = tpu.memref_slice %arg9[%run_scoped3A_23, %dma_wait3A_87] : memref<2x128xi32, #tpu.memory_space<vmem>> -> memref<1x128xi32, #tpu.memory_space<vmem>>
      %dma_wait3A_89 = tpu.memref_squeeze %dma_wait3A_88 : memref<1x128xi32, #tpu.memory_space<vmem>> -> memref<128xi32, #tpu.memory_space<vmem>>
      %dma_wait3A_90 = tpu.memref_slice %arg2[%add3A_22] : memref<8192xi32, #tpu.memory_space<hbm>> -> memref<128xi32, #tpu.memory_space<hbm>>
      %dma_wait3A_91 = arith.constant 0 : i32
      %dma_wait3A_92 = tpu.memref_slice %arg9[%run_scoped3A_23, %dma_wait3A_91] : memref<2x128xi32, #tpu.memory_space<vmem>> -> memref<1x128xi32, #tpu.memory_space<vmem>>
      %dma_wait3A_93 = tpu.memref_squeeze %dma_wait3A_92 : memref<1x128xi32, #tpu.memory_space<vmem>> -> memref<128xi32, #tpu.memory_space<vmem>>
      %dma_wait3A_94 = tpu.memref_slice %arg2[%add3A_22] : memref<8192xi32, #tpu.memory_space<hbm>> -> memref<128xi32, #tpu.memory_space<hbm>>
      tpu.wait_dma2 semaphore(%run_scoped3A_78 : memref<!tpu.dma_semaphore, #tpu.memory_space<semaphore_mem>>) src(%dma_wait3A_94 : memref<128xi32, #tpu.memory_space<hbm>>) dst(%dma_wait3A_93 : memref<128xi32, #tpu.memory_space<vmem>>)
      tpu.yield
    }) : () -> ()
    "tpu.region"() ({
      %run_scoped3A_78 = tpu.sem_alloc : memref<!tpu.dma_semaphore, #tpu.memory_space<semaphore_mem>>
      %dma_start3A_79 = tpu.memref_slice %arg2[%mul3A_2] : memref<8192xi32, #tpu.memory_space<hbm>> -> memref<256xi32, #tpu.memory_space<hbm>>
      %dma_start3A_80 = tpu.memref_slice %arg2[%mul3A_2] : memref<8192xi32, #tpu.memory_space<hbm>> -> memref<256xi32, #tpu.memory_space<hbm>>
      tpu.enqueue_dma source(%dma_start3A_80 : memref<256xi32, #tpu.memory_space<hbm>>) target(%arg10 : memref<256xi32, #tpu.memory_space<vmem>>) target_semaphore(%run_scoped3A_78 : memref<!tpu.dma_semaphore, #tpu.memory_space<semaphore_mem>>)
      %dma_wait3A_81 = tpu.memref_slice %arg2[%mul3A_2] : memref<8192xi32, #tpu.memory_space<hbm>> -> memref<256xi32, #tpu.memory_space<hbm>>
      %dma_wait3A_82 = tpu.memref_slice %arg2[%mul3A_2] : memref<8192xi32, #tpu.memory_space<hbm>> -> memref<256xi32, #tpu.memory_space<hbm>>
      tpu.wait_dma2 semaphore(%run_scoped3A_78 : memref<!tpu.dma_semaphore, #tpu.memory_space<semaphore_mem>>) src(%dma_wait3A_82 : memref<256xi32, #tpu.memory_space<hbm>>) dst(%arg10 : memref<256xi32, #tpu.memory_space<vmem>>)
      tpu.yield
    }) : () -> ()
    %mul3A_24 = arith.constant 32 : i32
    %mul3A_25 = arith.muli %mul3A_2, %mul3A_24 : i32
    "tpu.region"() ({
      %run_scoped3A_78 = tpu.sem_alloc : memref<!tpu.dma_semaphore, #tpu.memory_space<semaphore_mem>>
      %dma_start3A_79 = tpu.memref_slice %arg4[%mul3A_25] : memref<262144xf32, #tpu.memory_space<hbm>> -> memref<8192xf32, #tpu.memory_space<hbm>>
      %dma_start3A_80 = tpu.memref_slice %arg4[%mul3A_25] : memref<262144xf32, #tpu.memory_space<hbm>> -> memref<8192xf32, #tpu.memory_space<hbm>>
      tpu.enqueue_dma source(%dma_start3A_80 : memref<8192xf32, #tpu.memory_space<hbm>>) target(%arg12 : memref<8192xf32, #tpu.memory_space<vmem>>) target_semaphore(%run_scoped3A_78 : memref<!tpu.dma_semaphore, #tpu.memory_space<semaphore_mem>>)
      %dma_wait3A_81 = tpu.memref_slice %arg4[%mul3A_25] : memref<262144xf32, #tpu.memory_space<hbm>> -> memref<8192xf32, #tpu.memory_space<hbm>>
      %dma_wait3A_82 = tpu.memref_slice %arg4[%mul3A_25] : memref<262144xf32, #tpu.memory_space<hbm>> -> memref<8192xf32, #tpu.memory_space<hbm>>
      tpu.wait_dma2 semaphore(%run_scoped3A_78 : memref<!tpu.dma_semaphore, #tpu.memory_space<semaphore_mem>>) src(%dma_wait3A_82 : memref<8192xf32, #tpu.memory_space<hbm>>) dst(%arg12 : memref<8192xf32, #tpu.memory_space<vmem>>)
      tpu.yield
    }) : () -> ()
    %dma_start3A = arith.constant 0 : i32
    %dma_start3A_26 = arith.constant 0 : i32
    %dma_start3A_27 = arith.constant 0 : i32
    %dma_start3A_28 = tpu.memref_slice %arg11[%dma_start3A_26, %dma_start3A_27] : memref<256x32xf32, #tpu.memory_space<vmem>> -> memref<128x32xf32, #tpu.memory_space<vmem>>
    %dma_start3A_29 = arith.constant 0 : i32
    %dma_start3A_30 = tpu.memref_slice %arg9[%dma_start3A, %dma_start3A_29] : memref<2x128xi32, #tpu.memory_space<vmem>> -> memref<1x128xi32, #tpu.memory_space<vmem>>
    %dma_start3A_31 = tpu.memref_squeeze %dma_start3A_30 : memref<1x128xi32, #tpu.memory_space<vmem>> -> memref<128xi32, #tpu.memory_space<vmem>>
    %dma_start3A_32 = arith.constant 0 : i32
    %dma_start3A_33 = arith.constant 0 : i32
    %dma_start3A_34 = tpu.memref_slice %arg3[%dma_start3A_32, %dma_start3A_33] : memref<8200x32xf32, #tpu.memory_space<hbm>> -> memref<8200x32xf32, #tpu.memory_space<hbm>>
    tpu.enqueue_indirect_dma source(%dma_start3A_34 : memref<8200x32xf32, #tpu.memory_space<hbm>>) target(%dma_start3A_28 : memref<128x32xf32, #tpu.memory_space<vmem>>) offsets(%dma_start3A_31 : memref<128xi32, #tpu.memory_space<vmem>>) semaphore(%arg18 : memref<!tpu.dma_semaphore, #tpu.memory_space<semaphore_mem>>)
    %dma_wait3A = arith.constant 0 : i32
    %dma_wait3A_35 = arith.constant 0 : i32
    %dma_wait3A_36 = arith.constant 0 : i32
    %dma_wait3A_37 = tpu.memref_slice %arg11[%dma_wait3A_35, %dma_wait3A_36] : memref<256x32xf32, #tpu.memory_space<vmem>> -> memref<128x32xf32, #tpu.memory_space<vmem>>
    %dma_wait3A_38 = arith.constant 0 : i32
    %dma_wait3A_39 = tpu.memref_slice %arg9[%dma_wait3A, %dma_wait3A_38] : memref<2x128xi32, #tpu.memory_space<vmem>> -> memref<1x128xi32, #tpu.memory_space<vmem>>
    %dma_wait3A_40 = tpu.memref_squeeze %dma_wait3A_39 : memref<1x128xi32, #tpu.memory_space<vmem>> -> memref<128xi32, #tpu.memory_space<vmem>>
    %dma_wait3A_41 = arith.constant 0 : i32
    %dma_wait3A_42 = arith.constant 0 : i32
    %dma_wait3A_43 = tpu.memref_slice %arg3[%dma_wait3A_41, %dma_wait3A_42] : memref<8200x32xf32, #tpu.memory_space<hbm>> -> memref<8200x32xf32, #tpu.memory_space<hbm>>
    tpu.wait_indirect_dma semaphore(%arg18 : memref<!tpu.dma_semaphore, #tpu.memory_space<semaphore_mem>>) src(%dma_wait3A_43 : memref<8200x32xf32, #tpu.memory_space<hbm>>) dst(%dma_wait3A_37 : memref<128x32xf32, #tpu.memory_space<vmem>>)
    %dma_start3A_44 = arith.constant 1 : i32
    %dma_start3A_45 = arith.constant 128 : i32
    %dma_start3A_46 = arith.constant 0 : i32
    %dma_start3A_47 = tpu.memref_slice %arg11[%dma_start3A_45, %dma_start3A_46] : memref<256x32xf32, #tpu.memory_space<vmem>> -> memref<128x32xf32, #tpu.memory_space<vmem>>
    %dma_start3A_48 = arith.constant 0 : i32
    %dma_start3A_49 = tpu.memref_slice %arg9[%dma_start3A_44, %dma_start3A_48] : memref<2x128xi32, #tpu.memory_space<vmem>> -> memref<1x128xi32, #tpu.memory_space<vmem>>
    %dma_start3A_50 = tpu.memref_squeeze %dma_start3A_49 : memref<1x128xi32, #tpu.memory_space<vmem>> -> memref<128xi32, #tpu.memory_space<vmem>>
    %dma_start3A_51 = arith.constant 0 : i32
    %dma_start3A_52 = arith.constant 0 : i32
    %dma_start3A_53 = tpu.memref_slice %arg3[%dma_start3A_51, %dma_start3A_52] : memref<8200x32xf32, #tpu.memory_space<hbm>> -> memref<8200x32xf32, #tpu.memory_space<hbm>>
    tpu.enqueue_indirect_dma source(%dma_start3A_53 : memref<8200x32xf32, #tpu.memory_space<hbm>>) target(%dma_start3A_47 : memref<128x32xf32, #tpu.memory_space<vmem>>) offsets(%dma_start3A_50 : memref<128xi32, #tpu.memory_space<vmem>>) semaphore(%arg18 : memref<!tpu.dma_semaphore, #tpu.memory_space<semaphore_mem>>)
    %dma_wait3A_54 = arith.constant 1 : i32
    %dma_wait3A_55 = arith.constant 128 : i32
    %dma_wait3A_56 = arith.constant 0 : i32
    %dma_wait3A_57 = tpu.memref_slice %arg11[%dma_wait3A_55, %dma_wait3A_56] : memref<256x32xf32, #tpu.memory_space<vmem>> -> memref<128x32xf32, #tpu.memory_space<vmem>>
    %dma_wait3A_58 = arith.constant 0 : i32
    %dma_wait3A_59 = tpu.memref_slice %arg9[%dma_wait3A_54, %dma_wait3A_58] : memref<2x128xi32, #tpu.memory_space<vmem>> -> memref<1x128xi32, #tpu.memory_space<vmem>>
    %dma_wait3A_60 = tpu.memref_squeeze %dma_wait3A_59 : memref<1x128xi32, #tpu.memory_space<vmem>> -> memref<128xi32, #tpu.memory_space<vmem>>
    %dma_wait3A_61 = arith.constant 0 : i32
    %dma_wait3A_62 = arith.constant 0 : i32
    %dma_wait3A_63 = tpu.memref_slice %arg3[%dma_wait3A_61, %dma_wait3A_62] : memref<8200x32xf32, #tpu.memory_space<hbm>> -> memref<8200x32xf32, #tpu.memory_space<hbm>>
    tpu.wait_indirect_dma semaphore(%arg18 : memref<!tpu.dma_semaphore, #tpu.memory_space<semaphore_mem>>) src(%dma_wait3A_63 : memref<8200x32xf32, #tpu.memory_space<hbm>>) dst(%dma_wait3A_57 : memref<128x32xf32, #tpu.memory_space<vmem>>)
    "tpu.region"() ({
      %run_scoped3A_78 = tpu.sem_alloc : memref<!tpu.dma_semaphore, #tpu.memory_space<semaphore_mem>>
      %dma_start3A_79 = arith.constant 0 : i32
      %dma_start3A_80 = tpu.memref_slice %arg5[%mul3A_2, %dma_start3A_79] : memref<8192x32xf32, #tpu.memory_space<hbm>> -> memref<256x32xf32, #tpu.memory_space<hbm>>
      %dma_start3A_81 = arith.constant 0 : i32
      %dma_start3A_82 = tpu.memref_slice %arg5[%mul3A_2, %dma_start3A_81] : memref<8192x32xf32, #tpu.memory_space<hbm>> -> memref<256x32xf32, #tpu.memory_space<hbm>>
      tpu.enqueue_dma source(%arg11 : memref<256x32xf32, #tpu.memory_space<vmem>>) target(%dma_start3A_82 : memref<256x32xf32, #tpu.memory_space<hbm>>) target_semaphore(%run_scoped3A_78 : memref<!tpu.dma_semaphore, #tpu.memory_space<semaphore_mem>>)
      %dma_wait3A_83 = arith.constant 0 : i32
      %dma_wait3A_84 = tpu.memref_slice %arg5[%mul3A_2, %dma_wait3A_83] : memref<8192x32xf32, #tpu.memory_space<hbm>> -> memref<256x32xf32, #tpu.memory_space<hbm>>
      %dma_wait3A_85 = arith.constant 0 : i32
      %dma_wait3A_86 = tpu.memref_slice %arg5[%mul3A_2, %dma_wait3A_85] : memref<8192x32xf32, #tpu.memory_space<hbm>> -> memref<256x32xf32, #tpu.memory_space<hbm>>
      tpu.wait_dma2 semaphore(%run_scoped3A_78 : memref<!tpu.dma_semaphore, #tpu.memory_space<semaphore_mem>>) src(%arg11 : memref<256x32xf32, #tpu.memory_space<vmem>>) dst(%dma_wait3A_86 : memref<256x32xf32, #tpu.memory_space<hbm>>)
      tpu.yield
    }) : () -> ()
    %iota3A = tpu.iota {dimensions = array<i32: 0>} : vector<16xi32>
    %broadcast_in_dim3A_64 = arith.constant 0.000000e+00 : f32
    %broadcast_in_dim3A_65 = vector.broadcast %broadcast_in_dim3A_64 : f32 to vector<16xf32>
    %scan3A_66 = arith.constant 0 : i32
    %scan3A_67 = arith.constant 16 : i32
    %scan3A_68 = arith.addi %scan3A_66, %scan3A_67 : i32
    %scan3A_69 = arith.constant 1 : i32
    %scan3A_70 = scf.for %scan3A_78 = %scan3A_66 to %scan3A_68 step %scan3A_69 iter_args(%scan3A_79 = %broadcast_in_dim3A_65) -> (vector<16xf32>)  : i32 {
      %mul3A_80 = arith.constant 16 : i32
      %mul3A_81 = arith.muli %scan3A_78, %mul3A_80 : i32
      %add3A_82 = vector.broadcast %mul3A_81 : i32 to vector<16xi32>
      %add3A_83 = arith.addi %iota3A, %add3A_82 : vector<16xi32>
      %mul3A_84 = arith.constant 32 : i32
      %mul3A_85 = vector.broadcast %mul3A_84 : i32 to vector<16xi32>
      %mul3A_86 = arith.muli %add3A_83, %mul3A_85 : vector<16xi32>
      %broadcast_in_dim3A_87 = arith.constant 0.000000e+00 : f32
      %broadcast_in_dim3A_88 = vector.broadcast %broadcast_in_dim3A_87 : f32 to vector<16xf32>
      %broadcast_in_dim3A_89 = arith.constant 0 : i32
      %broadcast_in_dim3A_90 = vector.broadcast %broadcast_in_dim3A_89 : i32 to vector<16xi32>
      %add3A_91 = arith.constant 0 : i32
      %add3A_92 = vector.broadcast %add3A_91 : i32 to vector<16xi32>
      %add3A_93 = arith.addi %broadcast_in_dim3A_90, %add3A_92 : vector<16xi32>
      %add3A_94 = arith.addi %mul3A_86, %add3A_93 : vector<16xi32>
      %gather3A = tpu.vector_load_idx %arg12[%add3A_94] : memref<8192xf32, #tpu.memory_space<vmem>>[vector<16xi32>], vector<16xf32>,
      %gather3A_95 = tpu.vector_load_idx %arg11[%add3A_83, %add3A_93] : memref<256x32xf32, #tpu.memory_space<vmem>>[vector<16xi32>, vector<16xi32>], vector<16xf32>,
      %sub3A = arith.subf %gather3A, %gather3A_95 : vector<16xf32>
      %mul3A_96 = arith.mulf %sub3A, %sub3A : vector<16xf32>
      %add3A_97 = arith.addf %broadcast_in_dim3A_88, %mul3A_96 : vector<16xf32>
      %broadcast_in_dim3A_98 = arith.constant 0 : i32
      %broadcast_in_dim3A_99 = vector.broadcast %broadcast_in_dim3A_98 : i32 to vector<16xi32>
      %add3A_100 = arith.constant 1 : i32
      %add3A_101 = vector.broadcast %add3A_100 : i32 to vector<16xi32>
      %add3A_102 = arith.addi %broadcast_in_dim3A_99, %add3A_101 : vector<16xi32>
      %add3A_103 = arith.addi %mul3A_86, %add3A_102 : vector<16xi32>
      %gather3A_104 = tpu.vector_load_idx %arg12[%add3A_103] : memref<8192xf32, #tpu.memory_space<vmem>>[vector<16xi32>], vector<16xf32>,
      %gather3A_105 = tpu.vector_load_idx %arg11[%add3A_83, %add3A_102] : memref<256x32xf32, #tpu.memory_space<vmem>>[vector<16xi32>, vector<16xi32>], vector<16xf32>,
      %sub3A_106 = arith.subf %gather3A_104, %gather3A_105 : vector<16xf32>
      %mul3A_107 = arith.mulf %sub3A_106, %sub3A_106 : vector<16xf32>
      %add3A_108 = arith.addf %add3A_97, %mul3A_107 : vector<16xf32>
      %broadcast_in_dim3A_109 = arith.constant 0 : i32
      %broadcast_in_dim3A_110 = vector.broadcast %broadcast_in_dim3A_109 : i32 to vector<16xi32>
      %add3A_111 = arith.constant 2 : i32
      %add3A_112 = vector.broadcast %add3A_111 : i32 to vector<16xi32>
      %add3A_113 = arith.addi %broadcast_in_dim3A_110, %add3A_112 : vector<16xi32>
      %add3A_114 = arith.addi %mul3A_86, %add3A_113 : vector<16xi32>
      %gather3A_115 = tpu.vector_load_idx %arg12[%add3A_114] : memref<8192xf32, #tpu.memory_space<vmem>>[vector<16xi32>], vector<16xf32>,
      %gather3A_116 = tpu.vector_load_idx %arg11[%add3A_83, %add3A_113] : memref<256x32xf32, #tpu.memory_space<vmem>>[vector<16xi32>, vector<16xi32>], vector<16xf32>,
      %sub3A_117 = arith.subf %gather3A_115, %gather3A_116 : vector<16xf32>
      %mul3A_118 = arith.mulf %sub3A_117, %sub3A_117 : vector<16xf32>
      %add3A_119 = arith.addf %add3A_108, %mul3A_118 : vector<16xf32>
      %broadcast_in_dim3A_120 = arith.constant 0 : i32
      %broadcast_in_dim3A_121 = vector.broadcast %broadcast_in_dim3A_120 : i32 to vector<16xi32>
      %add3A_122 = arith.constant 3 : i32
      %add3A_123 = vector.broadcast %add3A_122 : i32 to vector<16xi32>
      %add3A_124 = arith.addi %broadcast_in_dim3A_121, %add3A_123 : vector<16xi32>
      %add3A_125 = arith.addi %mul3A_86, %add3A_124 : vector<16xi32>
      %gather3A_126 = tpu.vector_load_idx %arg12[%add3A_125] : memref<8192xf32, #tpu.memory_space<vmem>>[vector<16xi32>], vector<16xf32>,
      %gather3A_127 = tpu.vector_load_idx %arg11[%add3A_83, %add3A_124] : memref<256x32xf32, #tpu.memory_space<vmem>>[vector<16xi32>, vector<16xi32>], vector<16xf32>,
      %sub3A_128 = arith.subf %gather3A_126, %gather3A_127 : vector<16xf32>
      %mul3A_129 = arith.mulf %sub3A_128, %sub3A_128 : vector<16xf32>
      %add3A_130 = arith.addf %add3A_119, %mul3A_129 : vector<16xf32>
      %broadcast_in_dim3A_131 = arith.constant 0 : i32
      %broadcast_in_dim3A_132 = vector.broadcast %broadcast_in_dim3A_131 : i32 to vector<16xi32>
      %add3A_133 = arith.constant 4 : i32
      %add3A_134 = vector.broadcast %add3A_133 : i32 to vector<16xi32>
      %add3A_135 = arith.addi %broadcast_in_dim3A_132, %add3A_134 : vector<16xi32>
      %add3A_136 = arith.addi %mul3A_86, %add3A_135 : vector<16xi32>
      %gather3A_137 = tpu.vector_load_idx %arg12[%add3A_136] : memref<8192xf32, #tpu.memory_space<vmem>>[vector<16xi32>], vector<16xf32>,
      %gather3A_138 = tpu.vector_load_idx %arg11[%add3A_83, %add3A_135] : memref<256x32xf32, #tpu.memory_space<vmem>>[vector<16xi32>, vector<16xi32>], vector<16xf32>,
      %sub3A_139 = arith.subf %gather3A_137, %gather3A_138 : vector<16xf32>
      %mul3A_140 = arith.mulf %sub3A_139, %sub3A_139 : vector<16xf32>
      %add3A_141 = arith.addf %add3A_130, %mul3A_140 : vector<16xf32>
      %broadcast_in_dim3A_142 = arith.constant 0 : i32
      %broadcast_in_dim3A_143 = vector.broadcast %broadcast_in_dim3A_142 : i32 to vector<16xi32>
      %add3A_144 = arith.constant 5 : i32
      %add3A_145 = vector.broadcast %add3A_144 : i32 to vector<16xi32>
      %add3A_146 = arith.addi %broadcast_in_dim3A_143, %add3A_145 : vector<16xi32>
      %add3A_147 = arith.addi %mul3A_86, %add3A_146 : vector<16xi32>
      %gather3A_148 = tpu.vector_load_idx %arg12[%add3A_147] : memref<8192xf32, #tpu.memory_space<vmem>>[vector<16xi32>], vector<16xf32>,
      %gather3A_149 = tpu.vector_load_idx %arg11[%add3A_83, %add3A_146] : memref<256x32xf32, #tpu.memory_space<vmem>>[vector<16xi32>, vector<16xi32>], vector<16xf32>,
      %sub3A_150 = arith.subf %gather3A_148, %gather3A_149 : vector<16xf32>
      %mul3A_151 = arith.mulf %sub3A_150, %sub3A_150 : vector<16xf32>
      %add3A_152 = arith.addf %add3A_141, %mul3A_151 : vector<16xf32>
      %broadcast_in_dim3A_153 = arith.constant 0 : i32
      %broadcast_in_dim3A_154 = vector.broadcast %broadcast_in_dim3A_153 : i32 to vector<16xi32>
      %add3A_155 = arith.constant 6 : i32
      %add3A_156 = vector.broadcast %add3A_155 : i32 to vector<16xi32>
      %add3A_157 = arith.addi %broadcast_in_dim3A_154, %add3A_156 : vector<16xi32>
      %add3A_158 = arith.addi %mul3A_86, %add3A_157 : vector<16xi32>
      %gather3A_159 = tpu.vector_load_idx %arg12[%add3A_158] : memref<8192xf32, #tpu.memory_space<vmem>>[vector<16xi32>], vector<16xf32>,
      %gather3A_160 = tpu.vector_load_idx %arg11[%add3A_83, %add3A_157] : memref<256x32xf32, #tpu.memory_space<vmem>>[vector<16xi32>, vector<16xi32>], vector<16xf32>,
      %sub3A_161 = arith.subf %gather3A_159, %gather3A_160 : vector<16xf32>
      %mul3A_162 = arith.mulf %sub3A_161, %sub3A_161 : vector<16xf32>
      %add3A_163 = arith.addf %add3A_152, %mul3A_162 : vector<16xf32>
      %broadcast_in_dim3A_164 = arith.constant 0 : i32
      %broadcast_in_dim3A_165 = vector.broadcast %broadcast_in_dim3A_164 : i32 to vector<16xi32>
      %add3A_166 = arith.constant 7 : i32
      %add3A_167 = vector.broadcast %add3A_166 : i32 to vector<16xi32>
      %add3A_168 = arith.addi %broadcast_in_dim3A_165, %add3A_167 : vector<16xi32>
      %add3A_169 = arith.addi %mul3A_86, %add3A_168 : vector<16xi32>
      %gather3A_170 = tpu.vector_load_idx %arg12[%add3A_169] : memref<8192xf32, #tpu.memory_space<vmem>>[vector<16xi32>], vector<16xf32>,
      %gather3A_171 = tpu.vector_load_idx %arg11[%add3A_83, %add3A_168] : memref<256x32xf32, #tpu.memory_space<vmem>>[vector<16xi32>, vector<16xi32>], vector<16xf32>,
      %sub3A_172 = arith.subf %gather3A_170, %gather3A_171 : vector<16xf32>
      %mul3A_173 = arith.mulf %sub3A_172, %sub3A_172 : vector<16xf32>
      %add3A_174 = arith.addf %add3A_163, %mul3A_173 : vector<16xf32>
      %broadcast_in_dim3A_175 = arith.constant 0 : i32
      %broadcast_in_dim3A_176 = vector.broadcast %broadcast_in_dim3A_175 : i32 to vector<16xi32>
      %add3A_177 = arith.constant 8 : i32
      %add3A_178 = vector.broadcast %add3A_177 : i32 to vector<16xi32>
      %add3A_179 = arith.addi %broadcast_in_dim3A_176, %add3A_178 : vector<16xi32>
      %add3A_180 = arith.addi %mul3A_86, %add3A_179 : vector<16xi32>
      %gather3A_181 = tpu.vector_load_idx %arg12[%add3A_180] : memref<8192xf32, #tpu.memory_space<vmem>>[vector<16xi32>], vector<16xf32>,
      %gather3A_182 = tpu.vector_load_idx %arg11[%add3A_83, %add3A_179] : memref<256x32xf32, #tpu.memory_space<vmem>>[vector<16xi32>, vector<16xi32>], vector<16xf32>,
      %sub3A_183 = arith.subf %gather3A_181, %gather3A_182 : vector<16xf32>
      %mul3A_184 = arith.mulf %sub3A_183, %sub3A_183 : vector<16xf32>
      %add3A_185 = arith.addf %add3A_174, %mul3A_184 : vector<16xf32>
      %broadcast_in_dim3A_186 = arith.constant 0 : i32
      %broadcast_in_dim3A_187 = vector.broadcast %broadcast_in_dim3A_186 : i32 to vector<16xi32>
      %add3A_188 = arith.constant 9 : i32
      %add3A_189 = vector.broadcast %add3A_188 : i32 to vector<16xi32>
      %add3A_190 = arith.addi %broadcast_in_dim3A_187, %add3A_189 : vector<16xi32>
      %add3A_191 = arith.addi %mul3A_86, %add3A_190 : vector<16xi32>
      %gather3A_192 = tpu.vector_load_idx %arg12[%add3A_191] : memref<8192xf32, #tpu.memory_space<vmem>>[vector<16xi32>], vector<16xf32>,
      %gather3A_193 = tpu.vector_load_idx %arg11[%add3A_83, %add3A_190] : memref<256x32xf32, #tpu.memory_space<vmem>>[vector<16xi32>, vector<16xi32>], vector<16xf32>,
      %sub3A_194 = arith.subf %gather3A_192, %gather3A_193 : vector<16xf32>
      %mul3A_195 = arith.mulf %sub3A_194, %sub3A_194 : vector<16xf32>
      %add3A_196 = arith.addf %add3A_185, %mul3A_195 : vector<16xf32>
      %broadcast_in_dim3A_197 = arith.constant 0 : i32
      %broadcast_in_dim3A_198 = vector.broadcast %broadcast_in_dim3A_197 : i32 to vector<16xi32>
      %add3A_199 = arith.constant 10 : i32
      %add3A_200 = vector.broadcast %add3A_199 : i32 to vector<16xi32>
      %add3A_201 = arith.addi %broadcast_in_dim3A_198, %add3A_200 : vector<16xi32>
      %add3A_202 = arith.addi %mul3A_86, %add3A_201 : vector<16xi32>
      %gather3A_203 = tpu.vector_load_idx %arg12[%add3A_202] : memref<8192xf32, #tpu.memory_space<vmem>>[vector<16xi32>], vector<16xf32>,
      %gather3A_204 = tpu.vector_load_idx %arg11[%add3A_83, %add3A_201] : memref<256x32xf32, #tpu.memory_space<vmem>>[vector<16xi32>, vector<16xi32>], vector<16xf32>,
      %sub3A_205 = arith.subf %gather3A_203, %gather3A_204 : vector<16xf32>
      %mul3A_206 = arith.mulf %sub3A_205, %sub3A_205 : vector<16xf32>
      %add3A_207 = arith.addf %add3A_196, %mul3A_206 : vector<16xf32>
      %broadcast_in_dim3A_208 = arith.constant 0 : i32
      %broadcast_in_dim3A_209 = vector.broadcast %broadcast_in_dim3A_208 : i32 to vector<16xi32>
      %add3A_210 = arith.constant 11 : i32
      %add3A_211 = vector.broadcast %add3A_210 : i32 to vector<16xi32>
      %add3A_212 = arith.addi %broadcast_in_dim3A_209, %add3A_211 : vector<16xi32>
      %add3A_213 = arith.addi %mul3A_86, %add3A_212 : vector<16xi32>
      %gather3A_214 = tpu.vector_load_idx %arg12[%add3A_213] : memref<8192xf32, #tpu.memory_space<vmem>>[vector<16xi32>], vector<16xf32>,
      %gather3A_215 = tpu.vector_load_idx %arg11[%add3A_83, %add3A_212] : memref<256x32xf32, #tpu.memory_space<vmem>>[vector<16xi32>, vector<16xi32>], vector<16xf32>,
      %sub3A_216 = arith.subf %gather3A_214, %gather3A_215 : vector<16xf32>
      %mul3A_217 = arith.mulf %sub3A_216, %sub3A_216 : vector<16xf32>
      %add3A_218 = arith.addf %add3A_207, %mul3A_217 : vector<16xf32>
      %broadcast_in_dim3A_219 = arith.constant 0 : i32
      %broadcast_in_dim3A_220 = vector.broadcast %broadcast_in_dim3A_219 : i32 to vector<16xi32>
      %add3A_221 = arith.constant 12 : i32
      %add3A_222 = vector.broadcast %add3A_221 : i32 to vector<16xi32>
      %add3A_223 = arith.addi %broadcast_in_dim3A_220, %add3A_222 : vector<16xi32>
      %add3A_224 = arith.addi %mul3A_86, %add3A_223 : vector<16xi32>
      %gather3A_225 = tpu.vector_load_idx %arg12[%add3A_224] : memref<8192xf32, #tpu.memory_space<vmem>>[vector<16xi32>], vector<16xf32>,
      %gather3A_226 = tpu.vector_load_idx %arg11[%add3A_83, %add3A_223] : memref<256x32xf32, #tpu.memory_space<vmem>>[vector<16xi32>, vector<16xi32>], vector<16xf32>,
      %sub3A_227 = arith.subf %gather3A_225, %gather3A_226 : vector<16xf32>
      %mul3A_228 = arith.mulf %sub3A_227, %sub3A_227 : vector<16xf32>
      %add3A_229 = arith.addf %add3A_218, %mul3A_228 : vector<16xf32>
      %broadcast_in_dim3A_230 = arith.constant 0 : i32
      %broadcast_in_dim3A_231 = vector.broadcast %broadcast_in_dim3A_230 : i32 to vector<16xi32>
      %add3A_232 = arith.constant 13 : i32
      %add3A_233 = vector.broadcast %add3A_232 : i32 to vector<16xi32>
      %add3A_234 = arith.addi %broadcast_in_dim3A_231, %add3A_233 : vector<16xi32>
      %add3A_235 = arith.addi %mul3A_86, %add3A_234 : vector<16xi32>
      %gather3A_236 = tpu.vector_load_idx %arg12[%add3A_235] : memref<8192xf32, #tpu.memory_space<vmem>>[vector<16xi32>], vector<16xf32>,
      %gather3A_237 = tpu.vector_load_idx %arg11[%add3A_83, %add3A_234] : memref<256x32xf32, #tpu.memory_space<vmem>>[vector<16xi32>, vector<16xi32>], vector<16xf32>,
      %sub3A_238 = arith.subf %gather3A_236, %gather3A_237 : vector<16xf32>
      %mul3A_239 = arith.mulf %sub3A_238, %sub3A_238 : vector<16xf32>
      %add3A_240 = arith.addf %add3A_229, %mul3A_239 : vector<16xf32>
      %broadcast_in_dim3A_241 = arith.constant 0 : i32
      %broadcast_in_dim3A_242 = vector.broadcast %broadcast_in_dim3A_241 : i32 to vector<16xi32>
      %add3A_243 = arith.constant 14 : i32
      %add3A_244 = vector.broadcast %add3A_243 : i32 to vector<16xi32>
      %add3A_245 = arith.addi %broadcast_in_dim3A_242, %add3A_244 : vector<16xi32>
      %add3A_246 = arith.addi %mul3A_86, %add3A_245 : vector<16xi32>
      %gather3A_247 = tpu.vector_load_idx %arg12[%add3A_246] : memref<8192xf32, #tpu.memory_space<vmem>>[vector<16xi32>], vector<16xf32>,
      %gather3A_248 = tpu.vector_load_idx %arg11[%add3A_83, %add3A_245] : memref<256x32xf32, #tpu.memory_space<vmem>>[vector<16xi32>, vector<16xi32>], vector<16xf32>,
      %sub3A_249 = arith.subf %gather3A_247, %gather3A_248 : vector<16xf32>
      %mul3A_250 = arith.mulf %sub3A_249, %sub3A_249 : vector<16xf32>
      %add3A_251 = arith.addf %add3A_240, %mul3A_250 : vector<16xf32>
      %broadcast_in_dim3A_252 = arith.constant 0 : i32
      %broadcast_in_dim3A_253 = vector.broadcast %broadcast_in_dim3A_252 : i32 to vector<16xi32>
      %add3A_254 = arith.constant 15 : i32
      %add3A_255 = vector.broadcast %add3A_254 : i32 to vector<16xi32>
      %add3A_256 = arith.addi %broadcast_in_dim3A_253, %add3A_255 : vector<16xi32>
      %add3A_257 = arith.addi %mul3A_86, %add3A_256 : vector<16xi32>
      %gather3A_258 = tpu.vector_load_idx %arg12[%add3A_257] : memref<8192xf32, #tpu.memory_space<vmem>>[vector<16xi32>], vector<16xf32>,
      %gather3A_259 = tpu.vector_load_idx %arg11[%add3A_83, %add3A_256] : memref<256x32xf32, #tpu.memory_space<vmem>>[vector<16xi32>, vector<16xi32>], vector<16xf32>,
      %sub3A_260 = arith.subf %gather3A_258, %gather3A_259 : vector<16xf32>
      %mul3A_261 = arith.mulf %sub3A_260, %sub3A_260 : vector<16xf32>
      %add3A_262 = arith.addf %add3A_251, %mul3A_261 : vector<16xf32>
      %broadcast_in_dim3A_263 = arith.constant 0 : i32
      %broadcast_in_dim3A_264 = vector.broadcast %broadcast_in_dim3A_263 : i32 to vector<16xi32>
      %add3A_265 = arith.constant 16 : i32
      %add3A_266 = vector.broadcast %add3A_265 : i32 to vector<16xi32>
      %add3A_267 = arith.addi %broadcast_in_dim3A_264, %add3A_266 : vector<16xi32>
      %add3A_268 = arith.addi %mul3A_86, %add3A_267 : vector<16xi32>
      %gather3A_269 = tpu.vector_load_idx %arg12[%add3A_268] : memref<8192xf32, #tpu.memory_space<vmem>>[vector<16xi32>], vector<16xf32>,
      %gather3A_270 = tpu.vector_load_idx %arg11[%add3A_83, %add3A_267] : memref<256x32xf32, #tpu.memory_space<vmem>>[vector<16xi32>, vector<16xi32>], vector<16xf32>,
      %sub3A_271 = arith.subf %gather3A_269, %gather3A_270 : vector<16xf32>
      %mul3A_272 = arith.mulf %sub3A_271, %sub3A_271 : vector<16xf32>
      %add3A_273 = arith.addf %add3A_262, %mul3A_272 : vector<16xf32>
      %broadcast_in_dim3A_274 = arith.constant 0 : i32
      %broadcast_in_dim3A_275 = vector.broadcast %broadcast_in_dim3A_274 : i32 to vector<16xi32>
      %add3A_276 = arith.constant 17 : i32
      %add3A_277 = vector.broadcast %add3A_276 : i32 to vector<16xi32>
      %add3A_278 = arith.addi %broadcast_in_dim3A_275, %add3A_277 : vector<16xi32>
      %add3A_279 = arith.addi %mul3A_86, %add3A_278 : vector<16xi32>
      %gather3A_280 = tpu.vector_load_idx %arg12[%add3A_279] : memref<8192xf32, #tpu.memory_space<vmem>>[vector<16xi32>], vector<16xf32>,
      %gather3A_281 = tpu.vector_load_idx %arg11[%add3A_83, %add3A_278] : memref<256x32xf32, #tpu.memory_space<vmem>>[vector<16xi32>, vector<16xi32>], vector<16xf32>,
      %sub3A_282 = arith.subf %gather3A_280, %gather3A_281 : vector<16xf32>
      %mul3A_283 = arith.mulf %sub3A_282, %sub3A_282 : vector<16xf32>
      %add3A_284 = arith.addf %add3A_273, %mul3A_283 : vector<16xf32>
      %broadcast_in_dim3A_285 = arith.constant 0 : i32
      %broadcast_in_dim3A_286 = vector.broadcast %broadcast_in_dim3A_285 : i32 to vector<16xi32>
      %add3A_287 = arith.constant 18 : i32
      %add3A_288 = vector.broadcast %add3A_287 : i32 to vector<16xi32>
      %add3A_289 = arith.addi %broadcast_in_dim3A_286, %add3A_288 : vector<16xi32>
      %add3A_290 = arith.addi %mul3A_86, %add3A_289 : vector<16xi32>
      %gather3A_291 = tpu.vector_load_idx %arg12[%add3A_290] : memref<8192xf32, #tpu.memory_space<vmem>>[vector<16xi32>], vector<16xf32>,
      %gather3A_292 = tpu.vector_load_idx %arg11[%add3A_83, %add3A_289] : memref<256x32xf32, #tpu.memory_space<vmem>>[vector<16xi32>, vector<16xi32>], vector<16xf32>,
      %sub3A_293 = arith.subf %gather3A_291, %gather3A_292 : vector<16xf32>
      %mul3A_294 = arith.mulf %sub3A_293, %sub3A_293 : vector<16xf32>
      %add3A_295 = arith.addf %add3A_284, %mul3A_294 : vector<16xf32>
      %broadcast_in_dim3A_296 = arith.constant 0 : i32
      %broadcast_in_dim3A_297 = vector.broadcast %broadcast_in_dim3A_296 : i32 to vector<16xi32>
      %add3A_298 = arith.constant 19 : i32
      %add3A_299 = vector.broadcast %add3A_298 : i32 to vector<16xi32>
      %add3A_300 = arith.addi %broadcast_in_dim3A_297, %add3A_299 : vector<16xi32>
      %add3A_301 = arith.addi %mul3A_86, %add3A_300 : vector<16xi32>
      %gather3A_302 = tpu.vector_load_idx %arg12[%add3A_301] : memref<8192xf32, #tpu.memory_space<vmem>>[vector<16xi32>], vector<16xf32>,
      %gather3A_303 = tpu.vector_load_idx %arg11[%add3A_83, %add3A_300] : memref<256x32xf32, #tpu.memory_space<vmem>>[vector<16xi32>, vector<16xi32>], vector<16xf32>,
      %sub3A_304 = arith.subf %gather3A_302, %gather3A_303 : vector<16xf32>
      %mul3A_305 = arith.mulf %sub3A_304, %sub3A_304 : vector<16xf32>
      %add3A_306 = arith.addf %add3A_295, %mul3A_305 : vector<16xf32>
      %broadcast_in_dim3A_307 = arith.constant 0 : i32
      %broadcast_in_dim3A_308 = vector.broadcast %broadcast_in_dim3A_307 : i32 to vector<16xi32>
      %add3A_309 = arith.constant 20 : i32
      %add3A_310 = vector.broadcast %add3A_309 : i32 to vector<16xi32>
      %add3A_311 = arith.addi %broadcast_in_dim3A_308, %add3A_310 : vector<16xi32>
      %add3A_312 = arith.addi %mul3A_86, %add3A_311 : vector<16xi32>
      %gather3A_313 = tpu.vector_load_idx %arg12[%add3A_312] : memref<8192xf32, #tpu.memory_space<vmem>>[vector<16xi32>], vector<16xf32>,
      %gather3A_314 = tpu.vector_load_idx %arg11[%add3A_83, %add3A_311] : memref<256x32xf32, #tpu.memory_space<vmem>>[vector<16xi32>, vector<16xi32>], vector<16xf32>,
      %sub3A_315 = arith.subf %gather3A_313, %gather3A_314 : vector<16xf32>
      %mul3A_316 = arith.mulf %sub3A_315, %sub3A_315 : vector<16xf32>
      %add3A_317 = arith.addf %add3A_306, %mul3A_316 : vector<16xf32>
      %broadcast_in_dim3A_318 = arith.constant 0 : i32
      %broadcast_in_dim3A_319 = vector.broadcast %broadcast_in_dim3A_318 : i32 to vector<16xi32>
      %add3A_320 = arith.constant 21 : i32
      %add3A_321 = vector.broadcast %add3A_320 : i32 to vector<16xi32>
      %add3A_322 = arith.addi %broadcast_in_dim3A_319, %add3A_321 : vector<16xi32>
      %add3A_323 = arith.addi %mul3A_86, %add3A_322 : vector<16xi32>
      %gather3A_324 = tpu.vector_load_idx %arg12[%add3A_323] : memref<8192xf32, #tpu.memory_space<vmem>>[vector<16xi32>], vector<16xf32>,
      %gather3A_325 = tpu.vector_load_idx %arg11[%add3A_83, %add3A_322] : memref<256x32xf32, #tpu.memory_space<vmem>>[vector<16xi32>, vector<16xi32>], vector<16xf32>,
      %sub3A_326 = arith.subf %gather3A_324, %gather3A_325 : vector<16xf32>
      %mul3A_327 = arith.mulf %sub3A_326, %sub3A_326 : vector<16xf32>
      %add3A_328 = arith.addf %add3A_317, %mul3A_327 : vector<16xf32>
      %broadcast_in_dim3A_329 = arith.constant 0 : i32
      %broadcast_in_dim3A_330 = vector.broadcast %broadcast_in_dim3A_329 : i32 to vector<16xi32>
      %add3A_331 = arith.constant 22 : i32
      %add3A_332 = vector.broadcast %add3A_331 : i32 to vector<16xi32>
      %add3A_333 = arith.addi %broadcast_in_dim3A_330, %add3A_332 : vector<16xi32>
      %add3A_334 = arith.addi %mul3A_86, %add3A_333 : vector<16xi32>
      %gather3A_335 = tpu.vector_load_idx %arg12[%add3A_334] : memref<8192xf32, #tpu.memory_space<vmem>>[vector<16xi32>], vector<16xf32>,
      %gather3A_336 = tpu.vector_load_idx %arg11[%add3A_83, %add3A_333] : memref<256x32xf32, #tpu.memory_space<vmem>>[vector<16xi32>, vector<16xi32>], vector<16xf32>,
      %sub3A_337 = arith.subf %gather3A_335, %gather3A_336 : vector<16xf32>
      %mul3A_338 = arith.mulf %sub3A_337, %sub3A_337 : vector<16xf32>
      %add3A_339 = arith.addf %add3A_328, %mul3A_338 : vector<16xf32>
      %broadcast_in_dim3A_340 = arith.constant 0 : i32
      %broadcast_in_dim3A_341 = vector.broadcast %broadcast_in_dim3A_340 : i32 to vector<16xi32>
      %add3A_342 = arith.constant 23 : i32
      %add3A_343 = vector.broadcast %add3A_342 : i32 to vector<16xi32>
      %add3A_344 = arith.addi %broadcast_in_dim3A_341, %add3A_343 : vector<16xi32>
      %add3A_345 = arith.addi %mul3A_86, %add3A_344 : vector<16xi32>
      %gather3A_346 = tpu.vector_load_idx %arg12[%add3A_345] : memref<8192xf32, #tpu.memory_space<vmem>>[vector<16xi32>], vector<16xf32>,
      %gather3A_347 = tpu.vector_load_idx %arg11[%add3A_83, %add3A_344] : memref<256x32xf32, #tpu.memory_space<vmem>>[vector<16xi32>, vector<16xi32>], vector<16xf32>,
      %sub3A_348 = arith.subf %gather3A_346, %gather3A_347 : vector<16xf32>
      %mul3A_349 = arith.mulf %sub3A_348, %sub3A_348 : vector<16xf32>
      %add3A_350 = arith.addf %add3A_339, %mul3A_349 : vector<16xf32>
      %broadcast_in_dim3A_351 = arith.constant 0 : i32
      %broadcast_in_dim3A_352 = vector.broadcast %broadcast_in_dim3A_351 : i32 to vector<16xi32>
      %add3A_353 = arith.constant 24 : i32
      %add3A_354 = vector.broadcast %add3A_353 : i32 to vector<16xi32>
      %add3A_355 = arith.addi %broadcast_in_dim3A_352, %add3A_354 : vector<16xi32>
      %add3A_356 = arith.addi %mul3A_86, %add3A_355 : vector<16xi32>
      %gather3A_357 = tpu.vector_load_idx %arg12[%add3A_356] : memref<8192xf32, #tpu.memory_space<vmem>>[vector<16xi32>], vector<16xf32>,
      %gather3A_358 = tpu.vector_load_idx %arg11[%add3A_83, %add3A_355] : memref<256x32xf32, #tpu.memory_space<vmem>>[vector<16xi32>, vector<16xi32>], vector<16xf32>,
      %sub3A_359 = arith.subf %gather3A_357, %gather3A_358 : vector<16xf32>
      %mul3A_360 = arith.mulf %sub3A_359, %sub3A_359 : vector<16xf32>
      %add3A_361 = arith.addf %add3A_350, %mul3A_360 : vector<16xf32>
      %broadcast_in_dim3A_362 = arith.constant 0 : i32
      %broadcast_in_dim3A_363 = vector.broadcast %broadcast_in_dim3A_362 : i32 to vector<16xi32>
      %add3A_364 = arith.constant 25 : i32
      %add3A_365 = vector.broadcast %add3A_364 : i32 to vector<16xi32>
      %add3A_366 = arith.addi %broadcast_in_dim3A_363, %add3A_365 : vector<16xi32>
      %add3A_367 = arith.addi %mul3A_86, %add3A_366 : vector<16xi32>
      %gather3A_368 = tpu.vector_load_idx %arg12[%add3A_367] : memref<8192xf32, #tpu.memory_space<vmem>>[vector<16xi32>], vector<16xf32>,
      %gather3A_369 = tpu.vector_load_idx %arg11[%add3A_83, %add3A_366] : memref<256x32xf32, #tpu.memory_space<vmem>>[vector<16xi32>, vector<16xi32>], vector<16xf32>,
      %sub3A_370 = arith.subf %gather3A_368, %gather3A_369 : vector<16xf32>
      %mul3A_371 = arith.mulf %sub3A_370, %sub3A_370 : vector<16xf32>
      %add3A_372 = arith.addf %add3A_361, %mul3A_371 : vector<16xf32>
      %broadcast_in_dim3A_373 = arith.constant 0 : i32
      %broadcast_in_dim3A_374 = vector.broadcast %broadcast_in_dim3A_373 : i32 to vector<16xi32>
      %add3A_375 = arith.constant 26 : i32
      %add3A_376 = vector.broadcast %add3A_375 : i32 to vector<16xi32>
      %add3A_377 = arith.addi %broadcast_in_dim3A_374, %add3A_376 : vector<16xi32>
      %add3A_378 = arith.addi %mul3A_86, %add3A_377 : vector<16xi32>
      %gather3A_379 = tpu.vector_load_idx %arg12[%add3A_378] : memref<8192xf32, #tpu.memory_space<vmem>>[vector<16xi32>], vector<16xf32>,
      %gather3A_380 = tpu.vector_load_idx %arg11[%add3A_83, %add3A_377] : memref<256x32xf32, #tpu.memory_space<vmem>>[vector<16xi32>, vector<16xi32>], vector<16xf32>,
      %sub3A_381 = arith.subf %gather3A_379, %gather3A_380 : vector<16xf32>
      %mul3A_382 = arith.mulf %sub3A_381, %sub3A_381 : vector<16xf32>
      %add3A_383 = arith.addf %add3A_372, %mul3A_382 : vector<16xf32>
      %broadcast_in_dim3A_384 = arith.constant 0 : i32
      %broadcast_in_dim3A_385 = vector.broadcast %broadcast_in_dim3A_384 : i32 to vector<16xi32>
      %add3A_386 = arith.constant 27 : i32
      %add3A_387 = vector.broadcast %add3A_386 : i32 to vector<16xi32>
      %add3A_388 = arith.addi %broadcast_in_dim3A_385, %add3A_387 : vector<16xi32>
      %add3A_389 = arith.addi %mul3A_86, %add3A_388 : vector<16xi32>
      %gather3A_390 = tpu.vector_load_idx %arg12[%add3A_389] : memref<8192xf32, #tpu.memory_space<vmem>>[vector<16xi32>], vector<16xf32>,
      %gather3A_391 = tpu.vector_load_idx %arg11[%add3A_83, %add3A_388] : memref<256x32xf32, #tpu.memory_space<vmem>>[vector<16xi32>, vector<16xi32>], vector<16xf32>,
      %sub3A_392 = arith.subf %gather3A_390, %gather3A_391 : vector<16xf32>
      %mul3A_393 = arith.mulf %sub3A_392, %sub3A_392 : vector<16xf32>
      %add3A_394 = arith.addf %add3A_383, %mul3A_393 : vector<16xf32>
      %broadcast_in_dim3A_395 = arith.constant 0 : i32
      %broadcast_in_dim3A_396 = vector.broadcast %broadcast_in_dim3A_395 : i32 to vector<16xi32>
      %add3A_397 = arith.constant 28 : i32
      %add3A_398 = vector.broadcast %add3A_397 : i32 to vector<16xi32>
      %add3A_399 = arith.addi %broadcast_in_dim3A_396, %add3A_398 : vector<16xi32>
      %add3A_400 = arith.addi %mul3A_86, %add3A_399 : vector<16xi32>
      %gather3A_401 = tpu.vector_load_idx %arg12[%add3A_400] : memref<8192xf32, #tpu.memory_space<vmem>>[vector<16xi32>], vector<16xf32>,
      %gather3A_402 = tpu.vector_load_idx %arg11[%add3A_83, %add3A_399] : memref<256x32xf32, #tpu.memory_space<vmem>>[vector<16xi32>, vector<16xi32>], vector<16xf32>,
      %sub3A_403 = arith.subf %gather3A_401, %gather3A_402 : vector<16xf32>
      %mul3A_404 = arith.mulf %sub3A_403, %sub3A_403 : vector<16xf32>
      %add3A_405 = arith.addf %add3A_394, %mul3A_404 : vector<16xf32>
      %broadcast_in_dim3A_406 = arith.constant 0 : i32
      %broadcast_in_dim3A_407 = vector.broadcast %broadcast_in_dim3A_406 : i32 to vector<16xi32>
      %add3A_408 = arith.constant 29 : i32
      %add3A_409 = vector.broadcast %add3A_408 : i32 to vector<16xi32>
      %add3A_410 = arith.addi %broadcast_in_dim3A_407, %add3A_409 : vector<16xi32>
      %add3A_411 = arith.addi %mul3A_86, %add3A_410 : vector<16xi32>
      %gather3A_412 = tpu.vector_load_idx %arg12[%add3A_411] : memref<8192xf32, #tpu.memory_space<vmem>>[vector<16xi32>], vector<16xf32>,
      %gather3A_413 = tpu.vector_load_idx %arg11[%add3A_83, %add3A_410] : memref<256x32xf32, #tpu.memory_space<vmem>>[vector<16xi32>, vector<16xi32>], vector<16xf32>,
      %sub3A_414 = arith.subf %gather3A_412, %gather3A_413 : vector<16xf32>
      %mul3A_415 = arith.mulf %sub3A_414, %sub3A_414 : vector<16xf32>
      %add3A_416 = arith.addf %add3A_405, %mul3A_415 : vector<16xf32>
      %broadcast_in_dim3A_417 = arith.constant 0 : i32
      %broadcast_in_dim3A_418 = vector.broadcast %broadcast_in_dim3A_417 : i32 to vector<16xi32>
      %add3A_419 = arith.constant 30 : i32
      %add3A_420 = vector.broadcast %add3A_419 : i32 to vector<16xi32>
      %add3A_421 = arith.addi %broadcast_in_dim3A_418, %add3A_420 : vector<16xi32>
      %add3A_422 = arith.addi %mul3A_86, %add3A_421 : vector<16xi32>
      %gather3A_423 = tpu.vector_load_idx %arg12[%add3A_422] : memref<8192xf32, #tpu.memory_space<vmem>>[vector<16xi32>], vector<16xf32>,
      %gather3A_424 = tpu.vector_load_idx %arg11[%add3A_83, %add3A_421] : memref<256x32xf32, #tpu.memory_space<vmem>>[vector<16xi32>, vector<16xi32>], vector<16xf32>,
      %sub3A_425 = arith.subf %gather3A_423, %gather3A_424 : vector<16xf32>
      %mul3A_426 = arith.mulf %sub3A_425, %sub3A_425 : vector<16xf32>
      %add3A_427 = arith.addf %add3A_416, %mul3A_426 : vector<16xf32>
      %broadcast_in_dim3A_428 = arith.constant 0 : i32
      %broadcast_in_dim3A_429 = vector.broadcast %broadcast_in_dim3A_428 : i32 to vector<16xi32>
      %add3A_430 = arith.constant 31 : i32
      %add3A_431 = vector.broadcast %add3A_430 : i32 to vector<16xi32>
      %add3A_432 = arith.addi %broadcast_in_dim3A_429, %add3A_431 : vector<16xi32>
      %add3A_433 = arith.addi %mul3A_86, %add3A_432 : vector<16xi32>
      %gather3A_434 = tpu.vector_load_idx %arg12[%add3A_433] : memref<8192xf32, #tpu.memory_space<vmem>>[vector<16xi32>], vector<16xf32>,
      %gather3A_435 = tpu.vector_load_idx %arg11[%add3A_83, %add3A_432] : memref<256x32xf32, #tpu.memory_space<vmem>>[vector<16xi32>, vector<16xi32>], vector<16xf32>,
      %sub3A_436 = arith.subf %gather3A_434, %gather3A_435 : vector<16xf32>
      %mul3A_437 = arith.mulf %sub3A_436, %sub3A_436 : vector<16xf32>
      %add3A_438 = arith.addf %add3A_427, %mul3A_437 : vector<16xf32>
      %mul3A_439 = arith.constant 16 : i32
      %mul3A_440 = arith.muli %scan3A_78, %mul3A_439 : i32
      %get3A = arith.index_cast %mul3A_440 : i32 to index
      %get3A_441 = tpu.vector_load %arg10[%get3A] {strides = array<i32>} : memref<256xi32, #tpu.memory_space<vmem>>, vector<16xi32>,
      %lt3A = arith.constant 8192 : i32
      %lt3A_442 = vector.broadcast %lt3A : i32 to vector<16xi32>
      %lt3A_443 = arith.cmpi slt, %get3A_441, %lt3A_442 : vector<16xi32>
      %jit3A = arith.constant 0.000000e+00 : f32
      %broadcast_in_dim3A_444 = vector.broadcast %jit3A : f32 to vector<16xf32>
      %select_n3A = arith.select %lt3A_443, %add3A_438, %broadcast_in_dim3A_444 : vector<16xi1>, vector<16xf32>
      %mul3A_445 = arith.constant 16 : i32
      %mul3A_446 = arith.muli %scan3A_78, %mul3A_445 : i32
      %swap3A_447 = arith.index_cast %mul3A_446 : i32 to index
      %swap3A_448 = tpu.vector_load %arg13[%swap3A_447] {strides = array<i32>} : memref<256xf32, #tpu.memory_space<vmem>>, vector<16xf32>,
      tpu.vector_store %arg13[%swap3A_447], %select_n3A {strides = array<i32>} : memref<256xf32, #tpu.memory_space<vmem>>, vector<16xf32>,
      %add3A_449 = arith.addf %scan3A_79, %select_n3A : vector<16xf32>
      scf.yield %add3A_449 : vector<16xf32>
    }
    %scan3A_71 = arith.constant 16 : i32
    %swap3A = arith.constant 0 : index
    %swap3A_72 = tpu.vector_load %arg14[%swap3A] {strides = array<i32>} : memref<16xf32, #tpu.memory_space<vmem>>, vector<16xf32>,
    tpu.vector_store %arg14[%swap3A], %scan3A_70 {strides = array<i32>} : memref<16xf32, #tpu.memory_space<vmem>>, vector<16xf32>,
    "tpu.region"() ({
      %run_scoped3A_78 = tpu.sem_alloc : memref<!tpu.dma_semaphore, #tpu.memory_space<semaphore_mem>>
      %dma_start3A_79 = arith.constant 0 : i32
      %dma_start3A_80 = tpu.memref_slice %arg8[%add3A, %dma_start3A_79] : memref<32x16xf32, #tpu.memory_space<hbm>> -> memref<1x16xf32, #tpu.memory_space<hbm>>
      %dma_start3A_81 = tpu.memref_squeeze %dma_start3A_80 : memref<1x16xf32, #tpu.memory_space<hbm>> -> memref<16xf32, #tpu.memory_space<hbm>>
      %dma_start3A_82 = arith.constant 0 : i32
      %dma_start3A_83 = tpu.memref_slice %arg8[%add3A, %dma_start3A_82] : memref<32x16xf32, #tpu.memory_space<hbm>> -> memref<1x16xf32, #tpu.memory_space<hbm>>
      %dma_start3A_84 = tpu.memref_squeeze %dma_start3A_83 : memref<1x16xf32, #tpu.memory_space<hbm>> -> memref<16xf32, #tpu.memory_space<hbm>>
      tpu.enqueue_dma source(%arg14 : memref<16xf32, #tpu.memory_space<vmem>>) target(%dma_start3A_84 : memref<16xf32, #tpu.memory_space<hbm>>) target_semaphore(%run_scoped3A_78 : memref<!tpu.dma_semaphore, #tpu.memory_space<semaphore_mem>>)
      %dma_wait3A_85 = arith.constant 0 : i32
      %dma_wait3A_86 = tpu.memref_slice %arg8[%add3A, %dma_wait3A_85] : memref<32x16xf32, #tpu.memory_space<hbm>> -> memref<1x16xf32, #tpu.memory_space<hbm>>
      %dma_wait3A_87 = tpu.memref_squeeze %dma_wait3A_86 : memref<1x16xf32, #tpu.memory_space<hbm>> -> memref<16xf32, #tpu.memory_space<hbm>>
      %dma_wait3A_88 = arith.constant 0 : i32
      %dma_wait3A_89 = tpu.memref_slice %arg8[%add3A, %dma_wait3A_88] : memref<32x16xf32, #tpu.memory_space<hbm>> -> memref<1x16xf32, #tpu.memory_space<hbm>>
      %dma_wait3A_90 = tpu.memref_squeeze %dma_wait3A_89 : memref<1x16xf32, #tpu.memory_space<hbm>> -> memref<16xf32, #tpu.memory_space<hbm>>
      tpu.wait_dma2 semaphore(%run_scoped3A_78 : memref<!tpu.dma_semaphore, #tpu.memory_space<semaphore_mem>>) src(%arg14 : memref<16xf32, #tpu.memory_space<vmem>>) dst(%dma_wait3A_90 : memref<16xf32, #tpu.memory_space<hbm>>)
      tpu.yield
    }) : () -> ()
    "tpu.region"() ({
      %run_scoped3A_78 = tpu.sem_alloc : memref<!tpu.dma_semaphore, #tpu.memory_space<semaphore_mem>>
      %dma_start3A_79 = tpu.memref_slice %arg7[%mul3A_2] : memref<8192xf32, #tpu.memory_space<hbm>> -> memref<256xf32, #tpu.memory_space<hbm>>
      %dma_start3A_80 = tpu.memref_slice %arg7[%mul3A_2] : memref<8192xf32, #tpu.memory_space<hbm>> -> memref<256xf32, #tpu.memory_space<hbm>>
      tpu.enqueue_dma source(%arg13 : memref<256xf32, #tpu.memory_space<vmem>>) target(%dma_start3A_80 : memref<256xf32, #tpu.memory_space<hbm>>) target_semaphore(%run_scoped3A_78 : memref<!tpu.dma_semaphore, #tpu.memory_space<semaphore_mem>>)
      %dma_wait3A_81 = tpu.memref_slice %arg7[%mul3A_2] : memref<8192xf32, #tpu.memory_space<hbm>> -> memref<256xf32, #tpu.memory_space<hbm>>
      %dma_wait3A_82 = tpu.memref_slice %arg7[%mul3A_2] : memref<8192xf32, #tpu.memory_space<hbm>> -> memref<256xf32, #tpu.memory_space<hbm>>
      tpu.wait_dma2 semaphore(%run_scoped3A_78 : memref<!tpu.dma_semaphore, #tpu.memory_space<semaphore_mem>>) src(%arg13 : memref<256xf32, #tpu.memory_space<vmem>>) dst(%dma_wait3A_82 : memref<256xf32, #tpu.memory_space<hbm>>)
      tpu.yield
    }) : () -> ()
    %barrier3A = arith.constant 0 : index
    tpu.barrier barrier_id(%barrier3A)
    %run_scoped3A_73 = arith.constant 0 : i32
    "tpu.region"() ({
      %run_scoped3A_78 = tpu.sem_alloc : memref<!tpu.dma_semaphore, #tpu.memory_space<semaphore_mem>>
      %dma_start3A_79 = arith.constant 0 : i32
      %dma_start3A_80 = tpu.memref_slice %arg9[%run_scoped3A_73, %dma_start3A_79] : memref<2x128xi32, #tpu.memory_space<vmem>> -> memref<1x128xi32, #tpu.memory_space<vmem>>
      %dma_start3A_81 = tpu.memref_squeeze %dma_start3A_80 : memref<1x128xi32, #tpu.memory_space<vmem>> -> memref<128xi32, #tpu.memory_space<vmem>>
      %dma_start3A_82 = arith.constant 0 : i32
      %dma_start3A_83 = tpu.memref_slice %arg17[%dma_start3A_82] : memref<8704xf32, #tpu.memory_space<vmem_shared>> -> memref<8704xf32, #tpu.memory_space<vmem_shared>>
      tpu.enqueue_indirect_dma source(%arg15 : memref<128xf32, #tpu.memory_space<vmem>>) target(%dma_start3A_83 : memref<8704xf32, #tpu.memory_space<vmem_shared>>) offsets(%dma_start3A_81 : memref<128xi32, #tpu.memory_space<vmem>>) semaphore(%run_scoped3A_78 : memref<!tpu.dma_semaphore, #tpu.memory_space<semaphore_mem>>) {add = true}
      %dma_wait3A_84 = arith.constant 0 : i32
      %dma_wait3A_85 = tpu.memref_slice %arg9[%run_scoped3A_73, %dma_wait3A_84] : memref<2x128xi32, #tpu.memory_space<vmem>> -> memref<1x128xi32, #tpu.memory_space<vmem>>
      %dma_wait3A_86 = tpu.memref_squeeze %dma_wait3A_85 : memref<1x128xi32, #tpu.memory_space<vmem>> -> memref<128xi32, #tpu.memory_space<vmem>>
      %dma_wait3A_87 = arith.constant 0 : i32
      %dma_wait3A_88 = tpu.memref_slice %arg17[%dma_wait3A_87] : memref<8704xf32, #tpu.memory_space<vmem_shared>> -> memref<8704xf32, #tpu.memory_space<vmem_shared>>
      tpu.wait_indirect_dma semaphore(%run_scoped3A_78 : memref<!tpu.dma_semaphore, #tpu.memory_space<semaphore_mem>>) src(%arg15 : memref<128xf32, #tpu.memory_space<vmem>>) dst(%dma_wait3A_88 : memref<8704xf32, #tpu.memory_space<vmem_shared>>)
      tpu.yield
    }) : () -> ()
    %run_scoped3A_74 = arith.constant 1 : i32
    "tpu.region"() ({
      %run_scoped3A_78 = tpu.sem_alloc : memref<!tpu.dma_semaphore, #tpu.memory_space<semaphore_mem>>
      %dma_start3A_79 = arith.constant 0 : i32
      %dma_start3A_80 = tpu.memref_slice %arg9[%run_scoped3A_74, %dma_start3A_79] : memref<2x128xi32, #tpu.memory_space<vmem>> -> memref<1x128xi32, #tpu.memory_space<vmem>>
      %dma_start3A_81 = tpu.memref_squeeze %dma_start3A_80 : memref<1x128xi32, #tpu.memory_space<vmem>> -> memref<128xi32, #tpu.memory_space<vmem>>
      %dma_start3A_82 = arith.constant 0 : i32
      %dma_start3A_83 = tpu.memref_slice %arg17[%dma_start3A_82] : memref<8704xf32, #tpu.memory_space<vmem_shared>> -> memref<8704xf32, #tpu.memory_space<vmem_shared>>
      tpu.enqueue_indirect_dma source(%arg15 : memref<128xf32, #tpu.memory_space<vmem>>) target(%dma_start3A_83 : memref<8704xf32, #tpu.memory_space<vmem_shared>>) offsets(%dma_start3A_81 : memref<128xi32, #tpu.memory_space<vmem>>) semaphore(%run_scoped3A_78 : memref<!tpu.dma_semaphore, #tpu.memory_space<semaphore_mem>>) {add = true}
      %dma_wait3A_84 = arith.constant 0 : i32
      %dma_wait3A_85 = tpu.memref_slice %arg9[%run_scoped3A_74, %dma_wait3A_84] : memref<2x128xi32, #tpu.memory_space<vmem>> -> memref<1x128xi32, #tpu.memory_space<vmem>>
      %dma_wait3A_86 = tpu.memref_squeeze %dma_wait3A_85 : memref<1x128xi32, #tpu.memory_space<vmem>> -> memref<128xi32, #tpu.memory_space<vmem>>
      %dma_wait3A_87 = arith.constant 0 : i32
      %dma_wait3A_88 = tpu.memref_slice %arg17[%dma_wait3A_87] : memref<8704xf32, #tpu.memory_space<vmem_shared>> -> memref<8704xf32, #tpu.memory_space<vmem_shared>>
      tpu.wait_indirect_dma semaphore(%run_scoped3A_78 : memref<!tpu.dma_semaphore, #tpu.memory_space<semaphore_mem>>) src(%arg15 : memref<128xf32, #tpu.memory_space<vmem>>) dst(%dma_wait3A_88 : memref<8704xf32, #tpu.memory_space<vmem_shared>>)
      tpu.yield
    }) : () -> ()
    %barrier3A_75 = arith.constant 0 : index
    tpu.barrier barrier_id(%barrier3A_75)
    %eq3A = arith.constant 0 : i32
    %eq3A_76 = arith.cmpi eq, %arg1, %eq3A : i32
    %convert_element_type3A = arith.extui %eq3A_76 : i1 to i32
    %cond3A = arith.constant 0 : i32
    %cond3A_77 = arith.cmpi ne, %convert_element_type3A, %cond3A : i32
    scf.if %cond3A_77 {
      "tpu.region"() ({
        %run_scoped3A_78 = tpu.sem_alloc : memref<!tpu.dma_semaphore, #tpu.memory_space<semaphore_mem>>
        %dma_start3A_79 = arith.constant 0 : i32
        %dma_start3A_80 = tpu.memref_slice %arg6[%arg0, %dma_start3A_79] : memref<2x8704xf32, #tpu.memory_space<hbm>> -> memref<1x8704xf32, #tpu.memory_space<hbm>>
        %dma_start3A_81 = tpu.memref_squeeze %dma_start3A_80 : memref<1x8704xf32, #tpu.memory_space<hbm>> -> memref<8704xf32, #tpu.memory_space<hbm>>
        tpu.enqueue_dma source(%arg17 : memref<8704xf32, #tpu.memory_space<vmem_shared>>) target(%dma_start3A_81 : memref<8704xf32, #tpu.memory_space<hbm>>) target_semaphore(%run_scoped3A_78 : memref<!tpu.dma_semaphore, #tpu.memory_space<semaphore_mem>>)
        %dma_wait3A_82 = arith.constant 0 : i32
        %dma_wait3A_83 = tpu.memref_slice %arg6[%arg0, %dma_wait3A_82] : memref<2x8704xf32, #tpu.memory_space<hbm>> -> memref<1x8704xf32, #tpu.memory_space<hbm>>
        %dma_wait3A_84 = tpu.memref_squeeze %dma_wait3A_83 : memref<1x8704xf32, #tpu.memory_space<hbm>> -> memref<8704xf32, #tpu.memory_space<hbm>>
        tpu.wait_dma2 semaphore(%run_scoped3A_78 : memref<!tpu.dma_semaphore, #tpu.memory_space<semaphore_mem>>) src(%arg17 : memref<8704xf32, #tpu.memory_space<vmem_shared>>) dst(%dma_wait3A_84 : memref<8704xf32, #tpu.memory_space<hbm>>)
        tpu.yield
      }) : () -> ()
    } else {
    }
    return
  }
}

module attributes {stable_mosaic.version = 14 : i64} {
  func.func @_tc_dist_body(%arg0: i32, %arg1: memref<512x32xf32, #tpu.memory_space<vmem>>, %arg2: memref<8192x32xf32, #tpu.memory_space<vmem>>, %arg3: memref<8192xi32, #tpu.memory_space<vmem>>, %arg4: memref<8192xi32, #tpu.memory_space<vmem>>, %arg5: memref<1xf32, #tpu.memory_space<smem>>, %arg6: memref<8200x32xf32, #tpu.memory_space<vmem>>, %arg7: memref<32x8192xf32, #tpu.memory_space<vmem>>, %arg8: memref<1x8192xf32, #tpu.memory_space<vmem>>, %arg9: memref<1xf32, #tpu.memory_space<smem>>) attributes {dimension_semantics = [#tpu.dimension_semantics<arbitrary>], iteration_bounds = array<i64: 16>, scalar_prefetch = 0 : i64, scratch_operands = 3 : i64, tpu.core_type = #tpu.core_type<tc>, window_params = [{transform_indices = @transform_0, window_bounds = array<i64: 512, 32>}, {pipeline_mode = #tpu.pipeline_mode<synchronous>, transform_indices = @transform_1, window_bounds = array<i64: 8192, 32>}, {pipeline_mode = #tpu.pipeline_mode<synchronous>, transform_indices = @transform_2, window_bounds = array<i64: 8192>}, {pipeline_mode = #tpu.pipeline_mode<synchronous>, transform_indices = @transform_3, window_bounds = array<i64: 8192>}, {transform_indices = @transform_4, window_bounds = array<i64: 1>}, {pipeline_mode = #tpu.pipeline_mode<synchronous>, transform_indices = @transform_5, window_bounds = array<i64: 8200, 32>}]} {
    %eq3A = arith.constant 0 : i32
    %eq3A_0 = arith.cmpi eq, %arg0, %eq3A : i32
    %convert_element_type3A = arith.extui %eq3A_0 : i1 to i32
    %cond3A = arith.constant 0 : i32
    %cond3A_1 = arith.cmpi ne, %convert_element_type3A, %cond3A : i32
    scf.if %cond3A_1 {
      %swap3A_46 = arith.constant 0.000000e+00 : f32
      %swap3A_47 = arith.constant 0 : index
      %swap3A_48 = memref.load %arg9[%swap3A_47] : memref<1xf32, #tpu.memory_space<smem>>
      memref.store %swap3A_46, %arg9[%swap3A_47] : memref<1xf32, #tpu.memory_space<smem>>
      %get3A_49 = arith.constant 0 : index
      %get3A_50 = arith.constant 0 : index
      %get3A_51 = vector.load %arg2[%get3A_49, %get3A_50] : memref<8192x32xf32, #tpu.memory_space<vmem>>, vector<8192x32xf32>
      %transpose3A = tpu.transpose %get3A_51, [1, 0] : vector<8192x32xf32> -> vector<32x8192xf32>
      %mul3A_52 = arith.constant 2.000000e+00 : f32
      %mul3A_53 = vector.broadcast %mul3A_52 : f32 to vector<32x8192xf32>
      %mul3A_54 = arith.mulf %transpose3A, %mul3A_53 : vector<32x8192xf32>
      %swap3A_55 = arith.constant 0 : index
      %swap3A_56 = arith.constant 0 : index
      %swap3A_57 = vector.load %arg7[%swap3A_55, %swap3A_56] : memref<32x8192xf32, #tpu.memory_space<vmem>>, vector<32x8192xf32>
      tpu.vector_store %arg7[%swap3A_55, %swap3A_56], %mul3A_54 {strides = array<i32>} : memref<32x8192xf32, #tpu.memory_space<vmem>>, vector<32x8192xf32>,
      %get3A_58 = arith.constant 0 : index
      %get3A_59 = arith.constant 0 : index
      %get3A_60 = vector.load %arg7[%get3A_58, %get3A_59] : memref<32x8192xf32, #tpu.memory_space<vmem>>, vector<32x8192xf32>
      %mul3A_61 = arith.mulf %get3A_60, %get3A_60 : vector<32x8192xf32>
      %reduce_sum3A_62 = arith.constant dense<0.000000e+00> : vector<8192xf32>
      %reduce_sum3A_63 = vector.multi_reduction <add>, %mul3A_61, %reduce_sum3A_62 [0] : vector<32x8192xf32> to vector<8192xf32>
      %broadcast_in_dim3A_64 = vector.shape_cast %reduce_sum3A_63 : vector<8192xf32> to vector<1x8192xf32>
      %mul3A_65 = arith.constant 2.500000e-01 : f32
      %mul3A_66 = vector.broadcast %mul3A_65 : f32 to vector<1x8192xf32>
      %mul3A_67 = arith.mulf %broadcast_in_dim3A_64, %mul3A_66 : vector<1x8192xf32>
      %swap3A_68 = arith.constant 0 : index
      %swap3A_69 = arith.constant 0 : index
      %swap3A_70 = vector.load %arg8[%swap3A_68, %swap3A_69] : memref<1x8192xf32, #tpu.memory_space<vmem>>, vector<1x8192xf32>
      tpu.vector_store %arg8[%swap3A_68, %swap3A_69], %mul3A_67 {strides = array<i32>} : memref<1x8192xf32, #tpu.memory_space<vmem>>, vector<1x8192xf32>,
      %get3A_71 = arith.constant 0 : index
      %get3A_72 = arith.constant 0 : index
      %get3A_73 = vector.load %arg2[%get3A_71, %get3A_72] : memref<8192x32xf32, #tpu.memory_space<vmem>>, vector<8192x32xf32>
      %broadcast_in_dim3A_74 = arith.constant 0.000000e+00 : f32
      %broadcast_in_dim3A_75 = vector.broadcast %broadcast_in_dim3A_74 : f32 to vector<8x32xf32>
      %concatenate3A = tpu.concatenate %get3A_73, %broadcast_in_dim3A_75 in 0 : vector<8192x32xf32>, vector<8x32xf32> -> vector<8200x32xf32>
      %swap3A_76 = arith.constant 0 : index
      %swap3A_77 = arith.constant 0 : index
      %swap3A_78 = vector.load %arg6[%swap3A_76, %swap3A_77] : memref<8200x32xf32, #tpu.memory_space<vmem>>, vector<8200x32xf32>
      tpu.vector_store %arg6[%swap3A_76, %swap3A_77], %concatenate3A {strides = array<i32>} : memref<8200x32xf32, #tpu.memory_space<vmem>>, vector<8200x32xf32>,
    } else {
    }
    %get3A = arith.constant 0 : index
    %get3A_2 = arith.constant 0 : index
    %get3A_3 = vector.load %arg1[%get3A, %get3A_2] : memref<512x32xf32, #tpu.memory_space<vmem>>, vector<512x32xf32>
    %mul3A = arith.mulf %get3A_3, %get3A_3 : vector<512x32xf32>
    %reduce_sum3A = arith.constant dense<0.000000e+00> : vector<512xf32>
    %reduce_sum3A_4 = vector.multi_reduction <add>, %mul3A, %reduce_sum3A [1] : vector<512x32xf32> to vector<512xf32>
    %broadcast_in_dim3A = vector.shape_cast %reduce_sum3A_4 : vector<512xf32> to vector<512x1xf32>
    %get3A_5 = arith.constant 0 : index
    %get3A_6 = arith.constant 0 : index
    %get3A_7 = vector.load %arg7[%get3A_5, %get3A_6] : memref<32x8192xf32, #tpu.memory_space<vmem>>, vector<32x8192xf32>
    %dot_general3A = arith.constant dense<0.000000e+00> : vector<512x8192xf32>
    %dot_general3A_8 = tpu.matmul %get3A_3, %get3A_7, %dot_general3A {dimension_numbers = #tpu.dot_dimension_numbers<[1], [0], [0], [1], [0, 0, 1, 1], [], []>, transpose_lhs_hint = false} : vector<512x32xf32>, vector<32x8192xf32>, vector<512x8192xf32> -> vector<512x8192xf32>
    %get3A_9 = arith.constant 0 : index
    %get3A_10 = arith.constant 0 : index
    %get3A_11 = vector.load %arg8[%get3A_9, %get3A_10] : memref<1x8192xf32, #tpu.memory_space<vmem>>, vector<1x8192xf32>
    %add3A = vector.broadcast %broadcast_in_dim3A : vector<512x1xf32> to vector<512x8192xf32>
    %add3A_12 = vector.broadcast %get3A_11 : vector<1x8192xf32> to vector<512x8192xf32>
    %add3A_13 = arith.addf %add3A, %add3A_12 : vector<512x8192xf32>
    %sub3A = arith.subf %add3A_13, %dot_general3A_8 : vector<512x8192xf32>
    %argmin3A = tpu.reduce_index %sub3A {axis = 1 : i32, kind = #tpu.reduction_kind<arg_min>} : vector<512x8192xf32> -> vector<512xi32>
    %broadcast_in_dim3A_14 = vector.shape_cast %argmin3A : vector<512xi32> to vector<512x1xi32>
    %sqrt3A = math.sqrt %broadcast_in_dim3A : vector<512x1xf32>
    %gt3A = arith.constant 9.99999997E-7 : f32
    %gt3A_15 = vector.broadcast %gt3A : f32 to vector<512x1xf32>
    %gt3A_16 = arith.cmpf ogt, %sqrt3A, %gt3A_15 : vector<512x1xf32>
    %reshape3A = vector.shape_cast %broadcast_in_dim3A_14 : vector<512x1xi32> to vector<512xi32>
    %reshape3A_17 = vector.shape_cast %gt3A_16 : vector<512x1xi1> to vector<512xi1>
    %jit3A = arith.constant 0 : i32
    %broadcast_in_dim3A_18 = vector.broadcast %jit3A : i32 to vector<512xi32>
    %select_n3A = arith.select %reshape3A_17, %reshape3A, %broadcast_in_dim3A_18 : vector<512xi1>, vector<512xi32>
    %mul3A_19 = arith.constant 512 : i32
    %mul3A_20 = arith.muli %arg0, %mul3A_19 : i32
    %swap3A = arith.index_cast %mul3A_20 : i32 to index
    %swap3A_21 = vector.load %arg3[%swap3A] : memref<8192xi32, #tpu.memory_space<vmem>>, vector<512xi32>
    tpu.vector_store %arg3[%swap3A], %select_n3A {strides = array<i32>} : memref<8192xi32, #tpu.memory_space<vmem>>, vector<512xi32>,
    %jit3A_22 = arith.constant 8192 : i32
    %broadcast_in_dim3A_23 = vector.broadcast %jit3A_22 : i32 to vector<512xi32>
    %select_n3A_24 = arith.select %reshape3A_17, %reshape3A, %broadcast_in_dim3A_23 : vector<512xi1>, vector<512xi32>
    %mul3A_25 = arith.constant 512 : i32
    %mul3A_26 = arith.muli %arg0, %mul3A_25 : i32
    %swap3A_27 = arith.index_cast %mul3A_26 : i32 to index
    %swap3A_28 = vector.load %arg4[%swap3A_27] : memref<8192xi32, #tpu.memory_space<vmem>>, vector<512xi32>
    tpu.vector_store %arg4[%swap3A_27], %select_n3A_24 {strides = array<i32>} : memref<8192xi32, #tpu.memory_space<vmem>>, vector<512xi32>,
    %get3A_29 = arith.constant 0 : index
    %get3A_30 = memref.load %arg9[%get3A_29] : memref<1xf32, #tpu.memory_space<smem>>
    %convert_element_type3A_31 = arith.extui %reshape3A_17 : vector<512xi1> to vector<512xi32>
    %convert_element_type3A_32 = arith.sitofp %convert_element_type3A_31 : vector<512xi32> to vector<512xf32>
    %reduce_sum3A_33 = vector.shape_cast %convert_element_type3A_32 : vector<512xf32> to vector<1x512xf32>
    %reduce_sum3A_34 = arith.constant dense<0.000000e+00> : vector<1xf32>
    %reduce_sum3A_35 = vector.multi_reduction <add>, %reduce_sum3A_33, %reduce_sum3A_34 [1] : vector<1x512xf32> to vector<1xf32>
    %reduce_sum3A_36 = vector.shape_cast %reduce_sum3A_35 : vector<1xf32> to vector<1x1xf32>
    %reduce_sum3A_37 = vector.extract %reduce_sum3A_36[0, 0] : f32 from vector<1x1xf32>
    %add3A_38 = arith.addf %get3A_30, %reduce_sum3A_37 : f32
    %swap3A_39 = arith.constant 0 : index
    %swap3A_40 = memref.load %arg9[%swap3A_39] : memref<1xf32, #tpu.memory_space<smem>>
    memref.store %add3A_38, %arg9[%swap3A_39] : memref<1xf32, #tpu.memory_space<smem>>
    %eq3A_41 = arith.constant 15 : i32
    %eq3A_42 = arith.cmpi eq, %arg0, %eq3A_41 : i32
    %convert_element_type3A_43 = arith.extui %eq3A_42 : i1 to i32
    %cond3A_44 = arith.constant 0 : i32
    %cond3A_45 = arith.cmpi ne, %convert_element_type3A_43, %cond3A_44 : i32
    scf.if %cond3A_45 {
      %get3A_46 = arith.constant 0 : index
      %get3A_47 = memref.load %arg9[%get3A_46] : memref<1xf32, #tpu.memory_space<smem>>
      %max3A = arith.constant 1.000000e+00 : f32
      %max3A_48 = arith.maximumf %get3A_47, %max3A : f32
      %swap3A_49 = arith.constant 0 : index
      %swap3A_50 = memref.load %arg5[%swap3A_49] : memref<1xf32, #tpu.memory_space<smem>>
      memref.store %max3A_48, %arg5[%swap3A_49] : memref<1xf32, #tpu.memory_space<smem>>
    } else {
    }
    return
  }
  func.func @transform_0(%arg0: i32) -> (i32, i32) {
    %c0_i32 = arith.constant 0 : i32
    %c0_i32_0 = arith.constant 0 : i32
    return %arg0, %c0_i32 : i32, i32
  }
  func.func @transform_1(%arg0: i32) -> (i32, i32) {
    %c0_i32 = arith.constant 0 : i32
    %c0_i32_0 = arith.constant 0 : i32
    %c0_i32_1 = arith.constant 0 : i32
    return %c0_i32, %c0_i32_0 : i32, i32
  }
  func.func @transform_2(%arg0: i32) -> i32 {
    %c0_i32 = arith.constant 0 : i32
    %c0_i32_0 = arith.constant 0 : i32
    return %c0_i32 : i32
  }
  func.func @transform_3(%arg0: i32) -> i32 {
    %c0_i32 = arith.constant 0 : i32
    %c0_i32_0 = arith.constant 0 : i32
    return %c0_i32 : i32
  }
  func.func @transform_4(%arg0: i32) -> i32 {
    %c0_i32 = arith.constant 0 : i32
    %c0_i32_0 = arith.constant 0 : i32
    return %c0_i32 : i32
  }
  func.func @transform_5(%arg0: i32) -> (i32, i32) {
    %c0_i32 = arith.constant 0 : i32
    %c0_i32_0 = arith.constant 0 : i32
    %c0_i32_1 = arith.constant 0 : i32
    return %c0_i32, %c0_i32_0 : i32, i32
  }
}

module attributes {stable_mosaic.version = 14 : i64} {
  func.func @_tc_final_body(%arg0: memref<2x8704xf32, #tpu.memory_space<vmem>>, %arg1: memref<32x16xf32, #tpu.memory_space<vmem>>, %arg2: memref<1xf32, #tpu.memory_space<smem>>, %arg3: memref<8192xi32, #tpu.memory_space<vmem>>, %arg4: memref<8192xf32, #tpu.memory_space<vmem>>, %arg5: memref<4xf32, #tpu.memory_space<smem>>, %arg6: memref<8x1024xi32, #tpu.memory_space<vmem>>, %arg7: memref<8x1024xf32, #tpu.memory_space<vmem>>) attributes {dimension_semantics = [], scalar_prefetch = 0 : i64, scratch_operands = 0 : i64, tpu.core_type = #tpu.core_type<tc>} {
    %get3A = arith.constant 0 : index
    %get3A_0 = arith.constant 0 : index
    %get3A_1 = vector.load %arg0[%get3A, %get3A_0] : memref<2x8704xf32, #tpu.memory_space<vmem>>, vector<2x8704xf32>
    %slice3A = vector.extract_strided_slice %get3A_1 {offsets = [0, 0], sizes = [2, 8192], strides = [1, 1]} : vector<2x8704xf32> to vector<2x8192xf32>
    %reduce_sum3A = arith.constant dense<0.000000e+00> : vector<8192xf32>
    %reduce_sum3A_2 = vector.multi_reduction <add>, %slice3A, %reduce_sum3A [0] : vector<2x8192xf32> to vector<8192xf32>
    %broadcast_in_dim3A = vector.shape_cast %reduce_sum3A_2 : vector<8192xf32> to vector<1x8192xf32>
    %get3A_3 = arith.constant 0 : index
    %get3A_4 = memref.load %arg2[%get3A_3] : memref<1xf32, #tpu.memory_space<smem>>
    %get3A_5 = arith.constant 0 : index
    %get3A_6 = arith.constant 0 : index
    %get3A_7 = vector.load %arg1[%get3A_5, %get3A_6] : memref<32x16xf32, #tpu.memory_space<vmem>>, vector<32x16xf32>
    %reduce_sum3A_8 = vector.shape_cast %get3A_7 : vector<32x16xf32> to vector<1x32x16xf32>
    %reduce_sum3A_9 = arith.constant dense<0.000000e+00> : vector<1xf32>
    %reduce_sum3A_10 = vector.multi_reduction <add>, %reduce_sum3A_8, %reduce_sum3A_9 [1, 2] : vector<1x32x16xf32> to vector<1xf32>
    %reduce_sum3A_11 = vector.shape_cast %reduce_sum3A_10 : vector<1xf32> to vector<1x1x1xf32>
    %reduce_sum3A_12 = vector.extract %reduce_sum3A_11[0, 0, 0] : f32 from vector<1x1x1xf32>
    %mul3A = arith.constant 3.200000e+01 : f32
    %mul3A_13 = arith.mulf %get3A_4, %mul3A : f32
    %div3A = arith.divf %reduce_sum3A_12, %mul3A_13 : f32
    %div3A_14 = vector.broadcast %get3A_4 : f32 to vector<1x8192xf32>
    %div3A_15 = arith.divf %broadcast_in_dim3A, %div3A_14 : vector<1x8192xf32>
    %add3A = arith.constant 1.000000e-10 : f32
    %add3A_16 = vector.broadcast %add3A : f32 to vector<1x8192xf32>
    %add3A_17 = arith.addf %div3A_15, %add3A_16 : vector<1x8192xf32>
    %log3A = math.log %add3A_17 : vector<1x8192xf32>
    %mul3A_18 = arith.mulf %div3A_15, %log3A : vector<1x8192xf32>
    %reduce_sum3A_19 = vector.shape_cast %mul3A_18 : vector<1x8192xf32> to vector<1x1x8192xf32>
    %reduce_sum3A_20 = arith.constant dense<0.000000e+00> : vector<1xf32>
    %reduce_sum3A_21 = vector.multi_reduction <add>, %reduce_sum3A_19, %reduce_sum3A_20 [1, 2] : vector<1x1x8192xf32> to vector<1xf32>
    %reduce_sum3A_22 = vector.shape_cast %reduce_sum3A_21 : vector<1xf32> to vector<1x1x1xf32>
    %reduce_sum3A_23 = vector.extract %reduce_sum3A_22[0, 0, 0] : f32 from vector<1x1x1xf32>
    %neg3A = arith.constant 0.000000e+00 : f32
    %neg3A_24 = arith.subf %neg3A, %reduce_sum3A_23 : f32
    %exp3A = math.exp %neg3A_24 : f32
    %add3A_25 = arith.constant 1.000000e-10 : f32
    %add3A_26 = arith.addf %exp3A, %add3A_25 : f32
    %log3A_27 = math.log %add3A_26 : f32
    %neg3A_28 = arith.constant 0.000000e+00 : f32
    %neg3A_29 = arith.subf %neg3A_28, %log3A_27 : f32
    %mul3A_30 = arith.constant 0.00999999977 : f32
    %mul3A_31 = arith.mulf %mul3A_30, %neg3A_29 : f32
    %add3A_32 = arith.addf %div3A, %mul3A_31 : f32
    %swap3A = arith.constant 0 : index
    %swap3A_33 = memref.load %arg5[%swap3A] : memref<4xf32, #tpu.memory_space<smem>>
    memref.store %add3A_32, %arg5[%swap3A] : memref<4xf32, #tpu.memory_space<smem>>
    %swap3A_34 = arith.constant 1 : index
    %swap3A_35 = memref.load %arg5[%swap3A_34] : memref<4xf32, #tpu.memory_space<smem>>
    memref.store %div3A, %arg5[%swap3A_34] : memref<4xf32, #tpu.memory_space<smem>>
    %swap3A_36 = arith.constant 2 : index
    %swap3A_37 = memref.load %arg5[%swap3A_36] : memref<4xf32, #tpu.memory_space<smem>>
    memref.store %neg3A_29, %arg5[%swap3A_36] : memref<4xf32, #tpu.memory_space<smem>>
    %swap3A_38 = arith.constant 3 : index
    %swap3A_39 = memref.load %arg5[%swap3A_38] : memref<4xf32, #tpu.memory_space<smem>>
    memref.store %exp3A, %arg5[%swap3A_38] : memref<4xf32, #tpu.memory_space<smem>>
    %get3A_40 = arith.constant 0 : index
    %get3A_41 = vector.load %arg3[%get3A_40] : memref<8192xi32, #tpu.memory_space<vmem>>, vector<8192xi32>
    %reshape3A = vector.shape_cast %get3A_41 : vector<8192xi32> to vector<8x1024xi32>
    %swap3A_42 = arith.constant 0 : index
    %swap3A_43 = arith.constant 0 : index
    %swap3A_44 = vector.load %arg6[%swap3A_42, %swap3A_43] : memref<8x1024xi32, #tpu.memory_space<vmem>>, vector<8x1024xi32>
    tpu.vector_store %arg6[%swap3A_42, %swap3A_43], %reshape3A {strides = array<i32>} : memref<8x1024xi32, #tpu.memory_space<vmem>>, vector<8x1024xi32>,
    %get3A_45 = arith.constant 0 : index
    %get3A_46 = vector.load %arg4[%get3A_45] : memref<8192xf32, #tpu.memory_space<vmem>>, vector<8192xf32>
    %reshape3A_47 = vector.shape_cast %get3A_46 : vector<8192xf32> to vector<8x1024xf32>
    %swap3A_48 = arith.constant 0 : index
    %swap3A_49 = arith.constant 0 : index
    %swap3A_50 = vector.load %arg7[%swap3A_48, %swap3A_49] : memref<8x1024xf32, #tpu.memory_space<vmem>>, vector<8x1024xf32>
    tpu.vector_store %arg7[%swap3A_48, %swap3A_49], %reshape3A_47 {strides = array<i32>} : memref<8x1024xf32, #tpu.memory_space<vmem>>, vector<8x1024xf32>,
    return
  }
}

</mosaic_0001>

<sc_bundles>
// kernel: kernel.5.cloned.1.call-start
scs
__scs_entry_jumppad:
0x0: {  	(pc) =	sbr.rel $0x88, $3  }
0x1: {  	(tag) =	ssettag $0x0;
	lr =	simm.s32 $0x1  }
0x2: {  	[smem:$0x3F9F] =	sst lr;
	_ =	strace $0xD0000000  }
0x3: {  	_ = 	snop  }
0x4: {  	_ = 	snop  }
0x5: {  	_ = 	snop  }
0x6: {  	_ = 	snop  }
0x7: {  	_ = 	snop  }
__scs_overlays_trampoline_lowered:
0x8: {  	[smem:$0x3FAE] =	sst s0  }
0x9: {  	[smem:$0x3FAF] =	sst s1  }
0xa: {  	[smem:$0x3FB0] =	sst s2  }
0xb: {  	[smem:$0x3FB1] =	sst s3  }
0xc: {  	[smem:$0x3FB2] =	sst s4  }
0xd: {  	[smem:$0x3FB3] =	sst s5  }
0xe: {  	[smem:$0x3FB4] =	sst s6  }
0xf: {  	[smem:$0x3FB5] =	sst s7  }
0x10: {  	[smem:$0x3FB6] =	sst s8  }
0x11: {  	[smem:$0x3FB7] =	sst s9;
	s0 =	simm.s32 @!p0 $0x0  }
0x12: {  	s1 =	sld [smem:$0x3F9D];
	s0 =	simm.s32 @p0 $0x1  }
0x13: {  	[smem:$0x3FB8] =	sst s0;
	s0 =	simm.s32 @!p1 $0x0  }
0x14: {  	s2 =	sld [smem:$0x3F9C];
	s0 =	simm.s32 @p1 $0x1  }
0x15: {  	[smem:$0x3FB9] =	sst s0;
	s0 =	simm.s32 @!p2 $0x0  }
0x16: {  	s3 =	sld [smem:$0x3FDB];
	s0 =	simm.s32 @p2 $0x1  }
0x17: {  	s4 =	simm.s32 $0x1BF5;
	[smem:$0x3FBB] =	sst s0  }
0x18: {  	s0 =	sld [smem:$0x3F9E];
	_ =	swait.ge [sflag:s4], $0x0  }
0x19: {  	s7 =	sld [smem:$0x3F9F]  }
0x1a: {  	s8 =	sadd.s32 $0xFFFFE003, lr  }
0x1b: {  	s9 =	sadd.s32 $0xFFFFFEF7, lr;
	s5 =	simm.s32 $0xFFFFFFFF;
	p2 =	slt.u32 s8, $0xFFFFF086  }
0x1c: {  	p1 =	slt.u32 s9, $0xF7A;
	s5 =	simm.s32 @!p2 $0x0  }
0x1d: {  	s5 =	simm.s32 @p1 $0x1;
	p0 =	seq.s32 s7, s2  }
0x1e: {  	s7 =	smul.u32 @!p0 $0xF7A, s2;
	p2 =	seq.s32 @!p0 s5, $0x0  }
0x1f: {  	s9 =	smul.u32 $0xF7A, s1;
	s8 =	simm.s32 @!p0 $0x1BF5;
	p2 =	por !p2, p0  }
0x20: {  	[sflag:s8] =	ssyncset.s32 @!p0 $0xFFFFF086;
	s6 =	sadd.s32 @!p0 s3, s7;
	s7 =	simm.s32 @!p0 $0x108  }
0x21: {  	s3 =	sadd.s32 s3, s9;
	s6 =	sadd.s32 @!p0 $0x88, s6;
	s7 =	simm.s32 @p2 $0x1082  }
0x22: {  	[simem:s7], [sflag:s8] =	dma.local @!p0 [hbm:s6], $0xF7A  }
0x23: {  	s9 =	sor.u32 $0xD0000000, s2;
	s6 =	simm.s32 $0x108;
	_ =	swait.ge @!p0 [sflag:s8], $0x0  }
0x24: {  	s3 =	sadd.s32 $0x88, s3;
	s6 =	simm.s32 @!p1 $0x1082;
	[sflag:s4] =	ssyncset.s32 $0xFFFFF086  }
0x25: {  	[simem:s6], [sflag:s4] =	dma.local [hbm:s3], $0xF7A  }
0x26: {  	[smem:$0x3F9F] =	sst s1;
	(tag) =	ssettag s2;
	_ =	strace s9  }
0x27: {  	s1 =	sld [smem:$0x3FAF]  }
0x28: {  	s2 =	sld [smem:$0x3FB0]  }
0x29: {  	s4 =	sld [smem:$0x3FB2]  }
0x2a: {  	p0 =	seq.s32 s5, $0x0;
	s5 =	sld [smem:$0x3FB3]  }
0x2b: {  	s6 =	sld [smem:$0x3FB4]  }
0x2c: {  	s7 =	sld [smem:$0x3FB5]  }
0x2d: {  	s3 =	simm.s32 $0x108;
	s8 =	sld [smem:$0x3FB6]  }
0x2e: {  	s3 =	simm.s32 @!p0 $0x1082;
	s9 =	sld [smem:$0x3FB7]  }
0x2f: {  	lr =	sadd.s32 s0, s3;
	s0 =	sld [smem:$0x3FAE]  }
0x30: {  	s3 =	sld [smem:$0x3FB1]  }
0x31: {  	[smem:$0x3FBA] =	sst s10  }
0x32: {  	s10 =	sld [smem:$0x3FB8];
	_ =	sdelay $0x3  }
0x33: {  	p0 =	seq.s32 s10, $0x1;
	s10 =	sld [smem:$0x3FBA];
	_ =	sdelay $0x3  }
0x34: {  	[smem:$0x3FBA] =	sst s10  }
0x35: {  	s10 =	sld [smem:$0x3FB9];
	_ =	sdelay $0x3  }
0x36: {  	p1 =	seq.s32 s10, $0x1;
	s10 =	sld [smem:$0x3FBA];
	_ =	sdelay $0x3  }
0x37: {  	[smem:$0x3FBA] =	sst s10  }
0x38: {  	s10 =	sld [smem:$0x3FBB]  }
0x39: {  	_ = 	snop;
	(pc) =	sbr.ind lr, $3  }
0x3a: {  	_ = 	snop  }
0x3b: {  	_ = 	snop  }
0x3c: {  	p2 =	seq.s32 s10, $0x1;
	s10 =	sld [smem:$0x3FBA]  }
0x3d: {  	_ =	shalt  }
0x3e: {  	_ =	shalt  }
0x3f: {  	_ =	shalt  }
0x40: {  	_ =	shalt  }
0x41: {  	_ =	shalt  }
0x42: {  	_ =	shalt  }
0x43: {  	_ =	shalt  }
0x44: {  	_ =	shalt  }
0x45: {  	_ =	shalt  }
0x46: {  	_ =	shalt  }
0x47: {  	_ =	shalt  }
0x48: {  	_ =	shalt  }
0x49: {  	_ =	shalt  }
0x4a: {  	_ =	shalt  }
0x4b: {  	_ =	shalt  }
0x4c: {  	_ =	shalt  }
0x4d: {  	_ =	shalt  }
0x4e: {  	_ =	shalt  }
0x4f: {  	_ =	shalt  }
0x50: {  	_ =	shalt  }
0x51: {  	_ =	shalt  }
0x52: {  	_ =	shalt  }
0x53: {  	_ =	shalt  }
0x54: {  	_ =	shalt  }
0x55: {  	_ =	shalt  }
0x56: {  	_ =	shalt  }
0x57: {  	_ =	shalt  }
0x58: {  	_ =	shalt  }
0x59: {  	_ =	shalt  }
0x5a: {  	_ =	shalt  }
0x5b: {  	_ =	shalt  }
0x5c: {  	_ =	shalt  }
0x5d: {  	_ =	shalt  }
0x5e: {  	_ =	shalt  }
0x5f: {  	_ =	shalt  }
0x60: {  	_ =	shalt  }
0x61: {  	_ =	shalt  }
0x62: {  	_ =	shalt  }
0x63: {  	_ =	shalt  }
0x64: {  	_ =	shalt  }
0x65: {  	_ =	shalt  }
0x66: {  	_ =	shalt  }
0x67: {  	_ =	shalt  }
0x68: {  	_ =	shalt  }
0x69: {  	_ =	shalt  }
0x6a: {  	_ =	shalt  }
0x6b: {  	_ =	shalt  }
0x6c: {  	_ =	shalt  }
0x6d: {  	_ =	shalt  }
0x6e: {  	_ =	shalt  }
0x6f: {  	_ =	shalt  }
0x70: {  	_ =	shalt  }
0x71: {  	_ =	shalt  }
0x72: {  	_ =	shalt  }
0x73: {  	_ =	shalt  }
0x74: {  	_ =	shalt  }
0x75: {  	_ =	shalt  }
0x76: {  	_ =	shalt  }
0x77: {  	_ =	shalt  }
0x78: {  	_ =	shalt  }
0x79: {  	_ =	shalt  }
0x7a: {  	_ =	shalt  }
0x7b: {  	_ =	shalt  }
0x7c: {  	_ =	shalt  }
0x7d: {  	_ =	shalt  }
0x7e: {  	_ =	shalt  }
0x7f: {  	_ =	shalt  }
0x80: {  	_ =	shalt  }
0x81: {  	_ =	shalt  }
0x82: {  	_ =	shalt  }
0x83: {  	_ =	shalt  }
0x84: {  	_ =	shalt  }
0x85: {  	_ =	shalt  }
0x86: {  	_ =	shalt  }
0x87: {  	_ =	shalt  }
.Lfunc_end0:
.L_simem_size_0:
called_computation_lowered:
.L_overlay_start_0:
0x88: {  	s2 =	sld [smem:$0x3FD9]  }
0x89: {  	s3 =	sld [smem:$0x3FFE];
	_ =	sdelay $0x1  }
0x8a: {  	s1 =	srdreg.scid  }
0x8b: {  	s0 =	sand.u32 $0x1, s1  }
0x8c: {  	s14 =	sshll.u32 s0, $0xA;
	s2 =	sadd.s32 s3, s2  }
0x8d: {  	s2 =	sadd.s32 s2, s14  }
0x8e: {  	[smem:$0x3FC6] =	sst s2  }
0x8f: {  	_ = 	snop  }
0x90: {  	s2 =	sld [smem:$0x3FD0];
	_ =	sdelay $0x2  }
0x91: {  	s15 =	simm.s32 $0xA;
	s4 =	simm.s32 $0x10  }
0x92: {  	[smem:s4], [sflag:s15] =	dma.local [hbm:s2], $0x1  }
0x93: {  	_ =	swait.eq [sflag:s15], $0x1  }
0x94: {  	s16 =	sld [smem:$0x10];
	[sflag:s15] =	ssyncset.done $0x0  }
0x95: {  	s17 =	sld [smem:$0x13];
	[sflag:s15] =	ssyncadd.s32 $0xFFFFFFFF  }
0x96: {  	s18 =	sld [smem:$0x14];
	(tm) =	ssettm $0x1  }
0x97: {  	s5 =	sld [smem:$0x3FFB];
	_ =	sdelay $0x3  }
0x98: {  	_ =	strace s5  }
0x99: {  	s5 =	sld [smem:$0x3FFC];
	_ =	sdelay $0x3  }
0x9a: {  	_ =	strace s5  }
0x9b: {  	s5 =	sld [smem:$0x3FFD];
	_ =	sdelay $0x3  }
0x9c: {  	_ =	strace s5  }
0x9d: {  	_ =	strace $0x8FFFFFFF  }
0x9e: {  	s19 =	sld [smem:$0x3FDB];
	_ =	sdelay $0x1  }
0x9f: {  	s6 =	simm.s32 $_scs_section_size  }
0xa0: {  	s7 =	simm.s32 $_size__tile_overlayer_lowered;
	s8 =	simm.s32 $_tile_overlayer_lowered  }
0xa1: {  	s22 =	simm.s32 $0x1BFF;
	s21 =	sshll.u32 s8, $0x1;
	s5 =	sadd.s32 s6, s19  }
0xa2: {  	s9 =	simm.s32 $0x0;
	s20 =	sshll.u32 s7, $0x1;
	s7 =	sadd.s32 s21, s5  }
0xa3: {  	[timem:s9], [sflag:s22] =	dma.local [hbm:s7], s20  }
0xa4: {  	_ =	swait.ge [sflag:s22], s20  }
0xa5: {  	s6 =	ssub.s32 $0x0, s20;
	[sflag:s22] =	ssyncset.done $0x0  }
0xa6: {  	[sflag:s22] =	ssyncadd.s32 s6;
	_ =	sdelay $0x1  }
0xa7: {  	s23 =	simm.s32 $0x1B8B  }
0xa8: {  	_ =	swait.ge [sflag:s23], $0x1  }
0xa9: {  	[sflag:s23] =	ssyncset.done $0x0  }
0xaa: {  	s25 =	simm.s32 $0x1B8E;
	s24 =	sld [smem:$0x3FFE];
	[sflag:s23] =	ssyncadd.s32 $0xFFFFFFFF  }
0xab: {  	s26 =	simm.s32 $execute0_lowered;
	[smem:$0x3FD2] =	sst s25  }
0xac: {  	s7 =	sshll.u32 s26, $0x1;
	_ =	strace $0x80000046;
	[dreg:$0x1] =	wrdreg $0xFFFFFFFF  }
0xad: {  	s28 =	simm.s32 $_size_execute0_lowered;
	s5 =	sadd.s32 s5, s7;
	[dreg:$0x0] =	wrdreg $0x0  }
0xae: {  	s7 =	sshll.u32 s28, $0x1;
	[dreg:$0x2] =	wrdreg s5  }
0xaf: {  	[dreg:$0x3] =	wrdreg s7  }
0xb0: {  	[dreg:$0x4] =	wrdreg $0xC0  }
0xb1: {  	_ =	task [dreg:s9], $0x5FFFF  }
0xb2: {  	[dreg:$0x1] =	wrdreg $0xFFFFFFFF  }
0xb3: {  	[dreg:$0x0] =	wrdreg $0x60  }
0xb4: {  	[dreg:$0x2] =	wrdreg s18  }
0xb5: {  	[dreg:$0x3] =	wrdreg s24  }
0xb6: {  	[dreg:$0x4] =	wrdreg s16  }
0xb7: {  	[dreg:$0x5] =	wrdreg s17  }
0xb8: {  	[dreg:$0x6] =	wrdreg $0x45B00  }
0xb9: {  	[dreg:$0x7] =	wrdreg $0x9  }
0xba: {  	_ =	task.clear_ibuf [dreg:s9], $0x8FFFF;
	_ =	strace $0x90000046  }
0xbb: {  	s29 =	simm.s32 $0x9;
	_ =	strace $0x80000048  }
0xbc: {  	_ =	swait.ge [sflag:s29], $0x1  }
0xbd: {  	[sflag:s29] =	ssyncadd.s32 $0xFFFFFFFF  }
0xbe: {  	_ =	strace $0x90000048  }
0xbf: {  	_ =	sfence  }
0xc0: {  	s30 =	sld [smem:$0x0];
	_ =	sdelay $0x2  }
0xc1: {  	s31 =	sshll.u32 s1, $0xD;
	s1 =	sshrl.u32 s1, $0x2  }
0xc2: {  	s3 =	sand.u32 $0x4000, s31;
	s1 =	sadd.s32 s1, s30  }
0xc3: {  	s0 =	sor.u32 s3, s0;
	s1 =	sshll.u32 s1, $0x11  }
0xc4: {  	s0 =	sor.u32 s1, s0  }
0xc5: {  	s0 =	sadd.s32 $0x8F2B, s0  }
0xc6: {  	[sflag:s0] =	ssyncadd.remote.s32 $0x1  }
0xc7: {  	_ =	sfence.sel $0xFFFF  }
0xc8: {  	[dreg:$0x0] =	wrdreg $0xFFFFFFFF;
	(pc) =	sbr.abs _section_cstart, $3  }
0xc9: {  	[dreg:$0x1] =	wrdreg $0xFFFFFFFF  }
0xca: {  	_ =	task.clear_ibuf [dreg:s9], $0x2FFFF;
	_ =	strace $0x9FFFFFFF  }
0xcb: {  	(tm) =	ssettm $0x7FFFFFFF  }
tec
execute0_lowered:
.L_overlay_start_1:
0x0: {  	(tag) =	ssettag $0x1  }
0x1: {  	s4 =	rddreg [dreg:$0x0]  }
0x2: {  	s5 =	rddreg [dreg:$0x1]  }
0x3: {  	s7 =	rddreg [dreg:$0x2]  }
0x4: {  	s10 =	rddreg [dreg:$0x3]  }
0x5: {  	s0 =	srdreg.scid;
	s20 =	stileid.u32  }
0x6: {  	s1 =	rddreg [dreg:$0x4];
	s2 =	simm.s32 $0x0;
	s16 =	simm.s32 $0x2200  }
0x7: {  	s17 =	simm.s32 $0x200;
	s18 =	simm.s32 $0x1;
	s19 =	simm.s32 $0x1200  }
0x8: {  	s21 =	simm.s32 $0x4200;
	s22 =	simm.s32 $0x4310;
	s23 =	simm.s32 $0x0  }
0x9: {  	s6 =	sand.u32 $0x1, s0;
	s3 =	sshll.u32 s20, $0x1;
	s0 =	rddreg [dreg:$0x5]  }
0xa: {  	[smem:$0x7FF] =	sst s2;
	s14 =	smul.u32 $0x880, s20;
	p0 =	sne.s32 s20, $0x0  }
0xb: {  	s20 =	simm.s32 $0x4300;
	s8 =	sor.u32 s6, s3;
	s11 =	smul.u32 $0x440, s6  }
0xc: {  	_ =	strace $0x80000047;
	s3 =	sadd.s32 $0x1600, s5;
	s29 =	ssub.s32 $0x2, s6  }
0xd: {  	s9 =	sshll.u32 s8, $0xA;
	s13 =	sshll.u32 s8, $0x1;
	s15 =	sshll.u32 s8, $0x5  }
0xe: {  	s6 =	sshrl.u32 s29, $0x1;
	s30 =	sshrl.u32 s14, $0x2;
	s14 =	simm.s32 $0x2  }
0xf: {  	s12 =	sadd.s32 s9, s5;
	s11 =	sadd.s32 s11, s5;
	s13 =	sadd.s32 s13, s5  }
0x10: {  	s4 =	sadd.s32 s4, s15;
	s31 =	ssub.s32 s29, s6;
	s5 =	sadd.s32 s30, s1  }
0x11: {  	s7 =	sadd.s32 s7, s9;
	s10 =	sadd.s32 s10, s15;
	s15 =	simm.s32 $0x80  }
0x12: {  	v1 =	vlaneseq.u32;
	s6 =	sadd.s32 $0x10, s4;
	s8 =	sadd.s32 $0xA400, s12;
	s9 =	sadd.s32 $0xA200, s13  }
0x13: {  	v0 =	vimm.f32 $1.000000000e+00;
	v1 =	vmul.u32 $0x20, v1;
	s11 =	sadd.s32 $0x9800, s11;
	s12 =	smax.u32 s31, $0x1;
	s13 =	simm.s32 $0x4390  }
.LBB2_1:
0x14: {  	v2 =	vimm.f32 $0.0e+00  }
0x15: {  	[tilespmem:$0x4390] =	vst v2  }
0x16: {  	[tilespmem:$0x43A0] =	vst v2  }
0x17: {  	[tilespmem:$0x43B0] =	vst v2  }
0x18: {  	[tilespmem:$0x43C0] =	vst v2  }
0x19: {  	[tilespmem:$0x43D0] =	vst v2  }
0x1a: {  	[tilespmem:$0x43E0] =	vst v2  }
0x1b: {  	[tilespmem:$0x43F0] =	vst v2  }
0x1c: {  	[tilespmem:$0x4400] =	vst v2  }
0x1d: {  	[tilespmem:$0x4410] =	vst v2  }
0x1e: {  	[tilespmem:$0x4420] =	vst v2  }
0x1f: {  	[tilespmem:$0x4430] =	vst v2  }
0x20: {  	[tilespmem:$0x4440] =	vst v2  }
0x21: {  	[tilespmem:$0x4450] =	vst v2  }
0x22: {  	[tilespmem:$0x4460] =	vst v2  }
0x23: {  	[tilespmem:$0x4470] =	vst v2  }
0x24: {  	[tilespmem:$0x4480] =	vst v2  }
0x25: {  	[tilespmem:$0x4490] =	vst v2  }
0x26: {  	[tilespmem:$0x44A0] =	vst v2  }
0x27: {  	[tilespmem:$0x44B0] =	vst v2  }
0x28: {  	[tilespmem:$0x44C0] =	vst v2  }
0x29: {  	[tilespmem:$0x44D0] =	vst v2  }
0x2a: {  	[tilespmem:$0x44E0] =	vst v2  }
0x2b: {  	[tilespmem:$0x44F0] =	vst v2  }
0x2c: {  	[tilespmem:$0x4500] =	vst v2  }
0x2d: {  	[tilespmem:$0x4510] =	vst v2  }
0x2e: {  	[tilespmem:$0x4520] =	vst v2  }
0x2f: {  	[tilespmem:$0x4530] =	vst v2  }
0x30: {  	[tilespmem:$0x4540] =	vst v2  }
0x31: {  	[tilespmem:$0x4550] =	vst v2  }
0x32: {  	[tilespmem:$0x4560] =	vst v2  }
0x33: {  	[tilespmem:$0x4570] =	vst v2  }
0x34: {  	[tilespmem:$0x4580] =	vst v2  }
0x35: {  	[tilespmem:$0x4590] =	vst v2  }
0x36: {  	[tilespmem:$0x45A0] =	vst v2  }
0x37: {  	[spmem:s5] =	stream.linear.scatter [tilespmem:s13], [sflag:$0x2], $0x220, $0x38;
	[tilespmem:$0x47D0] =	vst v63  }
0x38: {  	_ =	swait.ge [sflag:s14], $0x220  }
0x39: {  	[sflag:s14] =	ssyncset.done $0x0  }
0x3a: {  	[sflag:s14] =	ssyncadd.s32 $0xFFFFFDE0  }
0x3b: {  	[tilespmem:$0x4310] =	vst v0  }
0x3c: {  	[tilespmem:$0x4320] =	vst v0  }
0x3d: {  	[tilespmem:$0x4330] =	vst v0  }
0x3e: {  	[tilespmem:$0x4340] =	vst v0  }
0x3f: {  	[tilespmem:$0x4350] =	vst v0  }
0x40: {  	[tilespmem:$0x4360] =	vst v0  }
0x41: {  	[tilespmem:$0x4370] =	vst v0  }
0x42: {  	[tilespmem:$0x4380] =	vst v0  }
0x43: {  	[tilespmem:s2], [sflag:$0x2] =	stream.linear.gather [hbm4b:s4+s2], $0x80, $0x38;
	[tilespmem:$0x47D0] =	vst v63  }
0x44: {  	_ =	swait.ge [sflag:s14], $0x80  }
0x45: {  	[sflag:s14] =	ssyncset.done $0x0  }
0x46: {  	[sflag:s14] =	ssyncadd.s32 $0xFFFFFF80  }
0x47: {  	[tilespmem:s15], [sflag:$0x2] =	stream.linear.gather [hbm4b:s6+s2], $0x80, $0x38;
	[tilespmem:$0x47D0] =	vst v63  }
0x48: {  	_ =	swait.ge [sflag:s14], $0x80  }
0x49: {  	[sflag:s14] =	ssyncset.done $0x0  }
0x4a: {  	s24 =	simm.s32 $0x100;
	[sflag:s14] =	ssyncadd.s32 $0xFFFFFF80  }
0x4b: {  	[tilespmem:s24], [sflag:$0x2] =	stream.linear.gather [hbm4b:s4+s2], $0x100, $0x38;
	[tilespmem:$0x47D0] =	vst v63  }
0x4c: {  	_ =	swait.ge [sflag:s14], $0x100  }
0x4d: {  	[sflag:s14] =	ssyncset.done $0x0  }
0x4e: {  	[sflag:s14] =	ssyncadd.s32 $0xFFFFFF00  }
0x4f: {  	[tilespmem:s16], [sflag:$0x2] =	stream.linear.gather [hbm4b:s7+s2], $0x2000, $0x38;
	[tilespmem:$0x47D0] =	vst v63  }
0x50: {  	_ =	swait.ge [sflag:s14], $0x2000  }
0x51: {  	[sflag:s14] =	ssyncset.done $0x0  }
0x52: {  	[sflag:s14] =	ssyncadd.s32 $0xFFFFE000  }
0x53: {  	[tilespmem:s17], [sflag:$0x1] =	stream.indirect.gather [hbm4b:s3+s15], $0x20, s2, s15, $0xb8;
	[tilespmem:$0x47D0] =	vst v63  }
0x54: {  	_ =	swait.ge [sflag:s18], $0x1000  }
0x55: {  	[sflag:s18] =	ssyncset.done $0x0  }
0x56: {  	[sflag:s18] =	ssyncadd.s32 $0xFFFFF000  }
0x57: {  	[tilespmem:s19], [sflag:$0x1] =	stream.indirect.gather [hbm4b:s3+s15], $0x20, s15, s15, $0xb8;
	[tilespmem:$0x47D0] =	vst v63  }
0x58: {  	v3 =	vmov s2;
	_ =	swait.ge [sflag:s18], $0x1000  }
0x59: {  	v3 =	vshll.u32 v3, $0x5;
	[sflag:s18] =	ssyncset.done $0x0  }
0x5a: {  	v3 =	vor.u32 v1, v3;
	[sflag:s18] =	ssyncadd.s32 $0xFFFFF000  }
0x5b: {  	[hbm4b:s8+s2] =	stream.linear.scatter [tilespmem:s17], [sflag:$0x2], $0x2000, $0x38;
	[tilespmem:$0x47D0] =	vst v63  }
0x5c: {  	v4 =	vor.u32 $0x1, v3;
	_ =	swait.ge [sflag:s14], $0x2000  }
0x5d: {  	[sflag:s14] =	ssyncset.done $0x0  }
0x5e: {  	v5 =	vor.u32 $0x2, v3;
	[sflag:s14] =	ssyncadd.s32 $0xFFFFE000  }
0x5f: {  	v6 =	vld.idx.msk [tilespmem:v3+s17+$0x0], $0xffff  }
0x60: {  	v8 =	vor.u32 $0x3, v3;
	v7 =	vld.idx.msk [tilespmem:v3+s16+$0x0], $0xffff  }
0x61: {  	v9 =	vld.idx.msk [tilespmem:v4+s16+$0x0], $0xffff  }
0x62: {  	v10 =	vor.u32 $0x4, v3;
	v4 =	vld.idx.msk [tilespmem:v4+s17+$0x0], $0xffff  }
0x63: {  	v11 =	vld.idx.msk [tilespmem:v5+s16+$0x0], $0xffff  }
0x64: {  	v12 =	vor.u32 $0x5, v3;
	v5 =	vld.idx.msk [tilespmem:v5+s17+$0x0], $0xffff  }
0x65: {  	v13 =	vld.idx.msk [tilespmem:v8+s16+$0x0], $0xffff  }
0x66: {  	v14 =	vor.u32 $0x6, v3;
	v8 =	vld.idx.msk [tilespmem:v8+s17+$0x0], $0xffff  }
0x67: {  	v15 =	vld.idx.msk [tilespmem:v10+s16+$0x0], $0xffff;
	v6 =	vsub.f32 v7, v6;
	v4 =	vsub.f32 v9, v4  }
0x68: {  	v52 =	vor.u32 $0x7, v3;
	v7 =	vld.idx.msk [tilespmem:v10+s17+$0x0], $0xffff  }
0x69: {  	v53 =	vld.idx.msk [tilespmem:v12+s16+$0x0], $0xffff;
	v5 =	vsub.f32 v11, v5;
	v6 =	vmul.f32 v6, v6;
	v4 =	vmul.f32 v4, v4  }
0x6a: {  	v54 =	vor.u32 $0x8, v3;
	v12 =	vld.idx.msk [tilespmem:v12+s17+$0x0], $0xffff  }
0x6b: {  	v16 =	vld.idx.msk [tilespmem:v14+s16+$0x0], $0xffff;
	v5 =	vmul.f32 v5, v5;
	v4 =	vadd.f32 v4, v6;
	v6 =	vsub.f32 v13, v8  }
0x6c: {  	v55 =	vld.idx.msk [tilespmem:v14+s17+$0x0], $0xffff;
	v8 =	vor.u32 $0x9, v3  }
0x6d: {  	v56 =	vld.idx.msk [tilespmem:v52+s16+$0x0], $0xffff;
	v4 =	vadd.f32 v5, v4;
	v5 =	vmul.f32 v6, v6;
	v6 =	vsub.f32 v15, v7  }
0x6e: {  	v9 =	vld.idx.msk [tilespmem:v52+s17+$0x0], $0xffff;
	v7 =	vor.u32 $0xA, v3  }
0x6f: {  	v57 =	vld.idx.msk [tilespmem:v54+s16+$0x0], $0xffff;
	v4 =	vadd.f32 v5, v4;
	v5 =	vmul.f32 v6, v6;
	v6 =	vsub.f32 v53, v12  }
0x70: {  	v58 =	vor.u32 $0xB, v3;
	v11 =	vld.idx.msk [tilespmem:v54+s17+$0x0], $0xffff  }
0x71: {  	v59 =	vld.idx.msk [tilespmem:v8+s16+$0x0], $0xffff;
	v4 =	vadd.f32 v5, v4;
	v5 =	vmul.f32 v6, v6;
	v6 =	vsub.f32 v16, v55  }
0x72: {  	v60 =	vor.u32 $0xC, v3;
	v8 =	vld.idx.msk [tilespmem:v8+s17+$0x0], $0xffff  }
0x73: {  	v61 =	vld.idx.msk [tilespmem:v7+s16+$0x0], $0xffff;
	v4 =	vadd.f32 v5, v4;
	v5 =	vmul.f32 v6, v6;
	v6 =	vsub.f32 v56, v9  }
0x74: {  	v62 =	vor.u32 $0xD, v3;
	v7 =	vld.idx.msk [tilespmem:v7+s17+$0x0], $0xffff  }
0x75: {  	v63 =	vld.idx.msk [tilespmem:v58+s16+$0x0], $0xffff;
	v4 =	vadd.f32 v5, v4;
	v5 =	vmul.f32 v6, v6;
	v6 =	vsub.f32 v57, v11  }
0x76: {  	v20 =	vor.u32 $0xE, v3;
	v10 =	vld.idx.msk [tilespmem:v58+s17+$0x0], $0xffff  }
0x77: {  	v21 =	vld.idx.msk [tilespmem:v60+s16+$0x0], $0xffff;
	v4 =	vadd.f32 v5, v4;
	v5 =	vmul.f32 v6, v6;
	v6 =	vsub.f32 v59, v8  }
0x78: {  	v22 =	vld.idx.msk [tilespmem:v60+s17+$0x0], $0xffff;
	v8 =	vor.u32 $0xF, v3  }
0x79: {  	v23 =	vld.idx.msk [tilespmem:v62+s16+$0x0], $0xffff;
	v4 =	vadd.f32 v5, v4;
	v5 =	vmul.f32 v6, v6;
	v6 =	vsub.f32 v61, v7  }
0x7a: {  	v9 =	vld.idx.msk [tilespmem:v62+s17+$0x0], $0xffff;
	v7 =	vor.u32 $0x10, v3  }
0x7b: {  	v24 =	vld.idx.msk [tilespmem:v20+s16+$0x0], $0xffff;
	v4 =	vadd.f32 v5, v4;
	v5 =	vmul.f32 v6, v6;
	v6 =	vsub.f32 v63, v10  }
0x7c: {  	v25 =	vor.u32 $0x11, v3;
	v11 =	vld.idx.msk [tilespmem:v20+s17+$0x0], $0xffff  }
0x7d: {  	v26 =	vld.idx.msk [tilespmem:v8+s16+$0x0], $0xffff;
	v4 =	vadd.f32 v5, v4;
	v5 =	vmul.f32 v6, v6;
	v6 =	vsub.f32 v21, v22  }
0x7e: {  	v27 =	vor.u32 $0x12, v3;
	v8 =	vld.idx.msk [tilespmem:v8+s17+$0x0], $0xffff  }
0x7f: {  	v28 =	vld.idx.msk [tilespmem:v7+s16+$0x0], $0xffff;
	v4 =	vadd.f32 v5, v4;
	v5 =	vmul.f32 v6, v6;
	v6 =	vsub.f32 v23, v9  }
0x80: {  	v29 =	vor.u32 $0x13, v3;
	v7 =	vld.idx.msk [tilespmem:v7+s17+$0x0], $0xffff  }
0x81: {  	v30 =	vld.idx.msk [tilespmem:v25+s16+$0x0], $0xffff;
	v4 =	vadd.f32 v5, v4;
	v5 =	vmul.f32 v6, v6;
	v6 =	vsub.f32 v24, v11  }
0x82: {  	v31 =	vor.u32 $0x14, v3;
	v10 =	vld.idx.msk [tilespmem:v25+s17+$0x0], $0xffff  }
0x83: {  	v32 =	vld.idx.msk [tilespmem:v27+s16+$0x0], $0xffff;
	v4 =	vadd.f32 v5, v4;
	v5 =	vmul.f32 v6, v6;
	v6 =	vsub.f32 v26, v8  }
0x84: {  	v12 =	vld.idx.msk [tilespmem:v27+s17+$0x0], $0xffff;
	v8 =	vor.u32 $0x15, v3  }
0x85: {  	v33 =	vld.idx.msk [tilespmem:v29+s16+$0x0], $0xffff;
	v4 =	vadd.f32 v5, v4;
	v5 =	vmul.f32 v6, v6;
	v6 =	vsub.f32 v28, v7  }
0x86: {  	v9 =	vld.idx.msk [tilespmem:v29+s17+$0x0], $0xffff;
	v7 =	vor.u32 $0x16, v3  }
0x87: {  	v34 =	vld.idx.msk [tilespmem:v31+s16+$0x0], $0xffff;
	v4 =	vadd.f32 v5, v4;
	v5 =	vmul.f32 v6, v6;
	v6 =	vsub.f32 v30, v10  }
0x88: {  	v35 =	vor.u32 $0x17, v3;
	v11 =	vld.idx.msk [tilespmem:v31+s17+$0x0], $0xffff  }
0x89: {  	v36 =	vld.idx.msk [tilespmem:v8+s16+$0x0], $0xffff;
	v4 =	vadd.f32 v5, v4;
	v5 =	vmul.f32 v6, v6;
	v6 =	vsub.f32 v32, v12  }
0x8a: {  	v37 =	vor.u32 $0x18, v3;
	v8 =	vld.idx.msk [tilespmem:v8+s17+$0x0], $0xffff  }
0x8b: {  	v38 =	vld.idx.msk [tilespmem:v7+s16+$0x0], $0xffff;
	v4 =	vadd.f32 v5, v4;
	v5 =	vmul.f32 v6, v6;
	v6 =	vsub.f32 v33, v9  }
0x8c: {  	v39 =	vor.u32 $0x19, v3;
	v7 =	vld.idx.msk [tilespmem:v7+s17+$0x0], $0xffff  }
0x8d: {  	v40 =	vld.idx.msk [tilespmem:v35+s16+$0x0], $0xffff;
	v4 =	vadd.f32 v5, v4;
	v5 =	vmul.f32 v6, v6;
	v6 =	vsub.f32 v34, v11  }
0x8e: {  	v41 =	vor.u32 $0x1A, v3;
	v10 =	vld.idx.msk [tilespmem:v35+s17+$0x0], $0xffff  }
0x8f: {  	v42 =	vld.idx.msk [tilespmem:v37+s16+$0x0], $0xffff;
	v4 =	vadd.f32 v5, v4;
	v5 =	vmul.f32 v6, v6;
	v6 =	vsub.f32 v36, v8  }
0x90: {  	v12 =	vld.idx.msk [tilespmem:v37+s17+$0x0], $0xffff;
	v8 =	vor.u32 $0x1B, v3  }
0x91: {  	v43 =	vld.idx.msk [tilespmem:v39+s16+$0x0], $0xffff;
	v4 =	vadd.f32 v5, v4;
	v5 =	vmul.f32 v6, v6;
	v6 =	vsub.f32 v38, v7  }
0x92: {  	v9 =	vld.idx.msk [tilespmem:v39+s17+$0x0], $0xffff;
	v7 =	vor.u32 $0x1C, v3  }
0x93: {  	v44 =	vld.idx.msk [tilespmem:v41+s16+$0x0], $0xffff;
	v4 =	vadd.f32 v5, v4;
	v5 =	vmul.f32 v6, v6;
	v6 =	vsub.f32 v40, v10  }
0x94: {  	v45 =	vor.u32 $0x1D, v3;
	v11 =	vld.idx.msk [tilespmem:v41+s17+$0x0], $0xffff  }
0x95: {  	v46 =	vld.idx.msk [tilespmem:v8+s16+$0x0], $0xffff;
	v4 =	vadd.f32 v5, v4;
	v5 =	vmul.f32 v6, v6;
	v6 =	vsub.f32 v42, v12  }
0x96: {  	v47 =	vor.u32 $0x1E, v3;
	v8 =	vld.idx.msk [tilespmem:v8+s17+$0x0], $0xffff  }
0x97: {  	v48 =	vld.idx.msk [tilespmem:v7+s16+$0x0], $0xffff;
	v4 =	vadd.f32 v5, v4;
	v5 =	vmul.f32 v6, v6;
	v6 =	vsub.f32 v43, v9  }
0x98: {  	v3 =	vor.u32 $0x1F, v3;
	v7 =	vld.idx.msk [tilespmem:v7+s17+$0x0], $0xffff  }
0x99: {  	v49 =	vld.idx.msk [tilespmem:v45+s16+$0x0], $0xffff;
	v4 =	vadd.f32 v5, v4;
	v5 =	vmul.f32 v6, v6;
	v6 =	vsub.f32 v44, v11  }
0x9a: {  	v10 =	vld.idx.msk [tilespmem:v45+s17+$0x0], $0xffff  }
0x9b: {  	v50 =	vld.idx.msk [tilespmem:v47+s16+$0x0], $0xffff;
	v4 =	vadd.f32 v5, v4;
	v5 =	vmul.f32 v6, v6;
	v6 =	vsub.f32 v46, v8  }
0x9c: {  	v8 =	vld.idx.msk [tilespmem:v47+s17+$0x0], $0xffff  }
0x9d: {  	v51 =	vld.idx.msk [tilespmem:v3+s16+$0x0], $0xffff;
	v4 =	vadd.f32 v5, v4;
	v5 =	vmul.f32 v6, v6;
	v6 =	vsub.f32 v48, v7  }
0x9e: {  	v3 =	vld.idx.msk [tilespmem:v3+s17+$0x0], $0xffff  }
0x9f: {  	v4 =	vadd.f32 v5, v4;
	v5 =	vmul.f32 v6, v6;
	v6 =	vsub.f32 v49, v10;
	_ =	sdelay $0x1  }
0xa0: {  	v4 =	vadd.f32 v5, v4;
	v5 =	vmul.f32 v6, v6;
	v6 =	vsub.f32 v50, v8;
	_ =	sdelay $0x1  }
0xa1: {  	s25 =	simm.s32 $0x10;
	v3 =	vsub.f32 v51, v3;
	v4 =	vadd.f32 v5, v4;
	v5 =	vmul.f32 v6, v6;
	v6 =	vld [tilespmem:s24+$0x0]  }
0xa2: {  	v7 =	vmov s25  }
0xa3: {  	v3 =	vmul.f32 v3, v3;
	v7 =	vshll.u32 v7, $0x5;
	v5 =	vadd.f32 v5, v4  }
0xa4: {  	v4 =	vor.u32 v1, v7  }
0xa5: {  	v3 =	vadd.f32 v3, v5  }
0xa6: {  	v5 =	vor.u32 $0x1, v4;
	vm0 =	vlt.s32 v6, $0x2000  }
0xa7: {  	v3 =	vnsel vm0, $0x0, v3  }
0xa8: {  	v6 =	vor.u32 $0x2, v4;
	[tilespmem:s21+$0x0] =	vst v3  }
0xa9: {  	v7 =	vld.idx.msk [tilespmem:v4+s17+$0x0], $0xffff  }
0xaa: {  	v52 =	vor.u32 $0x3, v4;
	v8 =	vld.idx.msk [tilespmem:v4+s16+$0x0], $0xffff  }
0xab: {  	v53 =	vld.idx.msk [tilespmem:v5+s16+$0x0], $0xffff  }
0xac: {  	v54 =	vor.u32 $0x4, v4;
	v5 =	vld.idx.msk [tilespmem:v5+s17+$0x0], $0xffff  }
0xad: {  	v55 =	vld.idx.msk [tilespmem:v6+s16+$0x0], $0xffff  }
0xae: {  	v56 =	vor.u32 $0x5, v4;
	v6 =	vld.idx.msk [tilespmem:v6+s17+$0x0], $0xffff  }
0xaf: {  	v57 =	vld.idx.msk [tilespmem:v52+s16+$0x0], $0xffff  }
0xb0: {  	v58 =	vor.u32 $0x6, v4;
	v9 =	vld.idx.msk [tilespmem:v52+s17+$0x0], $0xffff  }
0xb1: {  	v59 =	vld.idx.msk [tilespmem:v54+s16+$0x0], $0xffff;
	v7 =	vsub.f32 v8, v7;
	v5 =	vsub.f32 v53, v5  }
0xb2: {  	v60 =	vor.u32 $0x7, v4;
	v8 =	vld.idx.msk [tilespmem:v54+s17+$0x0], $0xffff  }
0xb3: {  	v61 =	vld.idx.msk [tilespmem:v56+s16+$0x0], $0xffff;
	v7 =	vmul.f32 v7, v7;
	v6 =	vsub.f32 v55, v6;
	v5 =	vmul.f32 v5, v5  }
0xb4: {  	v62 =	vor.u32 $0x8, v4;
	v13 =	vld.idx.msk [tilespmem:v56+s17+$0x0], $0xffff  }
0xb5: {  	v17 =	vld.idx.msk [tilespmem:v58+s16+$0x0], $0xffff;
	v6 =	vmul.f32 v6, v6;
	v5 =	vadd.f32 v5, v7;
	v7 =	vsub.f32 v57, v9  }
0xb6: {  	v63 =	vor.u32 $0x9, v4;
	v20 =	vld.idx.msk [tilespmem:v58+s17+$0x0], $0xffff  }
0xb7: {  	v21 =	vld.idx.msk [tilespmem:v60+s16+$0x0], $0xffff;
	v5 =	vadd.f32 v6, v5;
	v6 =	vmul.f32 v7, v7;
	v7 =	vsub.f32 v59, v8  }
0xb8: {  	v10 =	vld.idx.msk [tilespmem:v60+s17+$0x0], $0xffff;
	v8 =	vor.u32 $0xA, v4  }
0xb9: {  	v22 =	vld.idx.msk [tilespmem:v62+s16+$0x0], $0xffff;
	v5 =	vadd.f32 v6, v5;
	v6 =	vmul.f32 v7, v7;
	v7 =	vsub.f32 v61, v13  }
0xba: {  	v23 =	vor.u32 $0xB, v4;
	v12 =	vld.idx.msk [tilespmem:v62+s17+$0x0], $0xffff  }
0xbb: {  	v24 =	vld.idx.msk [tilespmem:v63+s16+$0x0], $0xffff;
	v5 =	vadd.f32 v6, v5;
	v6 =	vmul.f32 v7, v7;
	v7 =	vsub.f32 v17, v20  }
0xbc: {  	v25 =	vor.u32 $0xC, v4;
	v9 =	vld.idx.msk [tilespmem:v63+s17+$0x0], $0xffff  }
0xbd: {  	v26 =	vld.idx.msk [tilespmem:v8+s16+$0x0], $0xffff;
	v5 =	vadd.f32 v6, v5;
	v6 =	vmul.f32 v7, v7;
	v7 =	vsub.f32 v21, v10  }
0xbe: {  	v27 =	vor.u32 $0xD, v4;
	v8 =	vld.idx.msk [tilespmem:v8+s17+$0x0], $0xffff  }
0xbf: {  	v28 =	vld.idx.msk [tilespmem:v23+s16+$0x0], $0xffff;
	v5 =	vadd.f32 v6, v5;
	v6 =	vmul.f32 v7, v7;
	v7 =	vsub.f32 v22, v12  }
0xc0: {  	v29 =	vor.u32 $0xE, v4;
	v11 =	vld.idx.msk [tilespmem:v23+s17+$0x0], $0xffff  }
0xc1: {  	v30 =	vld.idx.msk [tilespmem:v25+s16+$0x0], $0xffff;
	v5 =	vadd.f32 v6, v5;
	v6 =	vmul.f32 v7, v7;
	v7 =	vsub.f32 v24, v9  }
0xc2: {  	v31 =	vor.u32 $0xF, v4;
	v32 =	vld.idx.msk [tilespmem:v25+s17+$0x0], $0xffff  }
0xc3: {  	v33 =	vld.idx.msk [tilespmem:v27+s16+$0x0], $0xffff;
	v5 =	vadd.f32 v6, v5;
	v6 =	vmul.f32 v7, v7;
	v7 =	vsub.f32 v26, v8  }
0xc4: {  	v10 =	vld.idx.msk [tilespmem:v27+s17+$0x0], $0xffff;
	v8 =	vor.u32 $0x10, v4  }
0xc5: {  	v34 =	vld.idx.msk [tilespmem:v29+s16+$0x0], $0xffff;
	v5 =	vadd.f32 v6, v5;
	v6 =	vmul.f32 v7, v7;
	v7 =	vsub.f32 v28, v11  }
0xc6: {  	v35 =	vor.u32 $0x11, v4;
	v12 =	vld.idx.msk [tilespmem:v29+s17+$0x0], $0xffff  }
0xc7: {  	v36 =	vld.idx.msk [tilespmem:v31+s16+$0x0], $0xffff;
	v5 =	vadd.f32 v6, v5;
	v6 =	vmul.f32 v7, v7;
	v7 =	vsub.f32 v30, v32  }
0xc8: {  	v37 =	vor.u32 $0x12, v4;
	v9 =	vld.idx.msk [tilespmem:v31+s17+$0x0], $0xffff  }
0xc9: {  	v38 =	vld.idx.msk [tilespmem:v8+s16+$0x0], $0xffff;
	v5 =	vadd.f32 v6, v5;
	v6 =	vmul.f32 v7, v7;
	v7 =	vsub.f32 v33, v10  }
0xca: {  	v39 =	vor.u32 $0x13, v4;
	v8 =	vld.idx.msk [tilespmem:v8+s17+$0x0], $0xffff  }
0xcb: {  	v40 =	vld.idx.msk [tilespmem:v35+s16+$0x0], $0xffff;
	v5 =	vadd.f32 v6, v5;
	v6 =	vmul.f32 v7, v7;
	v7 =	vsub.f32 v34, v12  }
0xcc: {  	v41 =	vor.u32 $0x14, v4;
	v11 =	vld.idx.msk [tilespmem:v35+s17+$0x0], $0xffff  }
0xcd: {  	v42 =	vld.idx.msk [tilespmem:v37+s16+$0x0], $0xffff;
	v5 =	vadd.f32 v6, v5;
	v6 =	vmul.f32 v7, v7;
	v7 =	vsub.f32 v36, v9  }
0xce: {  	v43 =	vor.u32 $0x15, v4;
	v13 =	vld.idx.msk [tilespmem:v37+s17+$0x0], $0xffff  }
0xcf: {  	v44 =	vld.idx.msk [tilespmem:v39+s16+$0x0], $0xffff;
	v5 =	vadd.f32 v6, v5;
	v6 =	vmul.f32 v7, v7;
	v7 =	vsub.f32 v38, v8  }
0xd0: {  	v10 =	vld.idx.msk [tilespmem:v39+s17+$0x0], $0xffff;
	v8 =	vor.u32 $0x16, v4  }
0xd1: {  	v45 =	vld.idx.msk [tilespmem:v41+s16+$0x0], $0xffff;
	v5 =	vadd.f32 v6, v5;
	v6 =	vmul.f32 v7, v7;
	v7 =	vsub.f32 v40, v11  }
0xd2: {  	v46 =	vor.u32 $0x17, v4;
	v12 =	vld.idx.msk [tilespmem:v41+s17+$0x0], $0xffff  }
0xd3: {  	v47 =	vld.idx.msk [tilespmem:v43+s16+$0x0], $0xffff;
	v5 =	vadd.f32 v6, v5;
	v6 =	vmul.f32 v7, v7;
	v7 =	vsub.f32 v42, v13  }
0xd4: {  	v48 =	vor.u32 $0x18, v4;
	v9 =	vld.idx.msk [tilespmem:v43+s17+$0x0], $0xffff  }
0xd5: {  	v49 =	vld.idx.msk [tilespmem:v8+s16+$0x0], $0xffff;
	v5 =	vadd.f32 v6, v5;
	v6 =	vmul.f32 v7, v7;
	v7 =	vsub.f32 v44, v10  }
0xd6: {  	v50 =	vor.u32 $0x19, v4;
	v8 =	vld.idx.msk [tilespmem:v8+s17+$0x0], $0xffff  }
0xd7: {  	v51 =	vld.idx.msk [tilespmem:v46+s16+$0x0], $0xffff;
	v5 =	vadd.f32 v6, v5;
	v6 =	vmul.f32 v7, v7;
	v7 =	vsub.f32 v45, v12  }
0xd8: {  	v52 =	vor.u32 $0x1A, v4;
	v11 =	vld.idx.msk [tilespmem:v46+s17+$0x0], $0xffff  }
0xd9: {  	v53 =	vld.idx.msk [tilespmem:v48+s16+$0x0], $0xffff;
	v5 =	vadd.f32 v6, v5;
	v6 =	vmul.f32 v7, v7;
	v7 =	vsub.f32 v47, v9  }
0xda: {  	v54 =	vor.u32 $0x1B, v4;
	v13 =	vld.idx.msk [tilespmem:v48+s17+$0x0], $0xffff  }
0xdb: {  	v55 =	vld.idx.msk [tilespmem:v50+s16+$0x0], $0xffff;
	v5 =	vadd.f32 v6, v5;
	v6 =	vmul.f32 v7, v7;
	v7 =	vsub.f32 v49, v8  }
0xdc: {  	v10 =	vld.idx.msk [tilespmem:v50+s17+$0x0], $0xffff;
	v8 =	vor.u32 $0x1C, v4  }
0xdd: {  	v56 =	vld.idx.msk [tilespmem:v52+s16+$0x0], $0xffff;
	v5 =	vadd.f32 v6, v5;
	v6 =	vmul.f32 v7, v7;
	v7 =	vsub.f32 v51, v11  }
0xde: {  	v57 =	vor.u32 $0x1D, v4;
	v12 =	vld.idx.msk [tilespmem:v52+s17+$0x0], $0xffff  }
0xdf: {  	v58 =	vld.idx.msk [tilespmem:v54+s16+$0x0], $0xffff;
	v5 =	vadd.f32 v6, v5;
	v6 =	vmul.f32 v7, v7;
	v7 =	vsub.f32 v53, v13  }
0xe0: {  	v59 =	vor.u32 $0x1E, v4;
	v9 =	vld.idx.msk [tilespmem:v54+s17+$0x0], $0xffff  }
0xe1: {  	v60 =	vld.idx.msk [tilespmem:v8+s16+$0x0], $0xffff;
	v5 =	vadd.f32 v6, v5;
	v6 =	vmul.f32 v7, v7;
	v7 =	vsub.f32 v55, v10  }
0xe2: {  	v4 =	vor.u32 $0x1F, v4;
	v8 =	vld.idx.msk [tilespmem:v8+s17+$0x0], $0xffff  }
0xe3: {  	v61 =	vld.idx.msk [tilespmem:v57+s16+$0x0], $0xffff;
	v5 =	vadd.f32 v6, v5;
	v6 =	vmul.f32 v7, v7;
	v7 =	vsub.f32 v56, v12  }
0xe4: {  	v11 =	vld.idx.msk [tilespmem:v57+s17+$0x0], $0xffff  }
0xe5: {  	v5 =	vadd.f32 v6, v5;
	v6 =	vmul.f32 v7, v7;
	v7 =	vsub.f32 v58, v9  }
0xe6: {  	v62 =	vld.idx.msk [tilespmem:v59+s16+$0x0], $0xffff  }
0xe7: {  	v63 =	vld.idx.msk [tilespmem:v59+s17+$0x0], $0xffff;
	v5 =	vadd.f32 v6, v5;
	v6 =	vmul.f32 v7, v7;
	v7 =	vsub.f32 v60, v8  }
0xe8: {  	v8 =	vld.idx.msk [tilespmem:v4+s16+$0x0], $0xffff  }
0xe9: {  	v4 =	vld.idx.msk [tilespmem:v4+s17+$0x0], $0xffff;
	v5 =	vadd.f32 v6, v5;
	v6 =	vmul.f32 v7, v7;
	v7 =	vsub.f32 v61, v11;
	_ =	sdelay $0x1  }
0xea: {  	v5 =	vadd.f32 v6, v5;
	v6 =	vmul.f32 v7, v7  }
0xeb: {  	v7 =	vsub.f32 v62, v63  }
0xec: {  	s31 =	simm.s32 $0x20;
	v5 =	vadd.f32 v6, v5  }
0xed: {  	s24 =	simm.s32 $0x110;
	v6 =	vmul.f32 v7, v7;
	v7 =	vsub.f32 v8, v4;
	v4 =	vmov s31  }
0xee: {  	v2 =	vadd.f32 v3, v2;
	v3 =	vshll.u32 v4, $0x5;
	v4 =	vld [tilespmem:s24+$0x0];
	_ =	sdelay $0x1  }
0xef: {  	v5 =	vadd.f32 v6, v5;
	v6 =	vmul.f32 v7, v7  }
0xf0: {  	s26 =	simm.s32 $0x30;
	s25 =	simm.s32 $0x4200;
	v3 =	vor.u32 v1, v3  }
.LBB2_2:
0xf1: {  	p1 =	sne.s32 s26, $0xF0;
	v5 =	vadd.f32 v6, v5  }
0xf2: {  	v6 =	vor.u32 $0x1, v3;
	vm0 =	vlt.s32 v4, $0x2000  }
0xf3: {  	s25 =	sadd.s32 $0x10, s25;
	v4 =	vnsel vm0, $0x0, v5  }
0xf4: {  	v5 =	vor.u32 $0x2, v3;
	[tilespmem:s25+$0x0] =	vst v4;
	v2 =	vadd.f32 v4, v2  }
0xf5: {  	v4 =	vld.idx.msk [tilespmem:v3+s17+$0x0], $0xffff  }
0xf6: {  	v8 =	vor.u32 $0x3, v3;
	v7 =	vld.idx.msk [tilespmem:v3+s16+$0x0], $0xffff  }
0xf7: {  	v9 =	vld.idx.msk [tilespmem:v6+s16+$0x0], $0xffff  }
0xf8: {  	v10 =	vor.u32 $0x4, v3;
	v6 =	vld.idx.msk [tilespmem:v6+s17+$0x0], $0xffff  }
0xf9: {  	v11 =	vld.idx.msk [tilespmem:v5+s16+$0x0], $0xffff  }
0xfa: {  	v12 =	vor.u32 $0x5, v3;
	v5 =	vld.idx.msk [tilespmem:v5+s17+$0x0], $0xffff  }
0xfb: {  	v13 =	vld.idx.msk [tilespmem:v8+s16+$0x0], $0xffff  }
0xfc: {  	v14 =	vor.u32 $0x6, v3;
	v8 =	vld.idx.msk [tilespmem:v8+s17+$0x0], $0xffff  }
0xfd: {  	v15 =	vld.idx.msk [tilespmem:v10+s16+$0x0], $0xffff  }
0xfe: {  	v4 =	vsub.f32 v7, v4;
	v6 =	vsub.f32 v9, v6;
	v9 =	vor.u32 $0x7, v3;
	v7 =	vld.idx.msk [tilespmem:v10+s17+$0x0], $0xffff  }
0xff: {  	v16 =	vor.u32 $0x8, v3;
	v10 =	vld.idx.msk [tilespmem:v12+s16+$0x0], $0xffff  }
0x100: {  	v4 =	vmul.f32 v4, v4;
	v6 =	vmul.f32 v6, v6;
	v5 =	vsub.f32 v11, v5;
	v11 =	vld.idx.msk [tilespmem:v12+s17+$0x0], $0xffff  }
0x101: {  	v17 =	vor.u32 $0x9, v3;
	v12 =	vld.idx.msk [tilespmem:v14+s16+$0x0], $0xffff  }
0x102: {  	v4 =	vadd.f32 v6, v4;
	v5 =	vmul.f32 v5, v5;
	v6 =	vsub.f32 v13, v8;
	v8 =	vld.idx.msk [tilespmem:v14+s17+$0x0], $0xffff  }
0x103: {  	v14 =	vor.u32 $0xA, v3;
	v13 =	vld.idx.msk [tilespmem:v9+s16+$0x0], $0xffff  }
0x104: {  	v4 =	vadd.f32 v5, v4;
	v5 =	vmul.f32 v6, v6;
	v6 =	vsub.f32 v15, v7;
	v7 =	vld.idx.msk [tilespmem:v9+s17+$0x0], $0xffff  }
0x105: {  	v15 =	vor.u32 $0xB, v3;
	v9 =	vld.idx.msk [tilespmem:v16+s16+$0x0], $0xffff  }
0x106: {  	v4 =	vadd.f32 v5, v4;
	v5 =	vmul.f32 v6, v6;
	v6 =	vsub.f32 v10, v11;
	v10 =	vld.idx.msk [tilespmem:v16+s17+$0x0], $0xffff  }
0x107: {  	v16 =	vor.u32 $0xC, v3;
	v11 =	vld.idx.msk [tilespmem:v17+s16+$0x0], $0xffff  }
0x108: {  	v4 =	vadd.f32 v5, v4;
	v5 =	vmul.f32 v6, v6;
	v6 =	vsub.f32 v12, v8;
	v8 =	vld.idx.msk [tilespmem:v17+s17+$0x0], $0xffff  }
0x109: {  	v17 =	vor.u32 $0xD, v3;
	v12 =	vld.idx.msk [tilespmem:v14+s16+$0x0], $0xffff  }
0x10a: {  	v4 =	vadd.f32 v5, v4;
	v5 =	vmul.f32 v6, v6;
	v6 =	vsub.f32 v13, v7;
	v7 =	vld.idx.msk [tilespmem:v14+s17+$0x0], $0xffff  }
0x10b: {  	v14 =	vor.u32 $0xE, v3;
	v13 =	vld.idx.msk [tilespmem:v15+s16+$0x0], $0xffff  }
0x10c: {  	v4 =	vadd.f32 v5, v4;
	v5 =	vmul.f32 v6, v6;
	v6 =	vsub.f32 v9, v10;
	v9 =	vld.idx.msk [tilespmem:v15+s17+$0x0], $0xffff  }
0x10d: {  	v15 =	vor.u32 $0xF, v3;
	v10 =	vld.idx.msk [tilespmem:v16+s16+$0x0], $0xffff  }
0x10e: {  	v4 =	vadd.f32 v5, v4;
	v5 =	vmul.f32 v6, v6;
	v6 =	vsub.f32 v11, v8;
	v8 =	vld.idx.msk [tilespmem:v16+s17+$0x0], $0xffff  }
0x10f: {  	v16 =	vor.u32 $0x10, v3;
	v11 =	vld.idx.msk [tilespmem:v17+s16+$0x0], $0xffff  }
0x110: {  	v4 =	vadd.f32 v5, v4;
	v5 =	vmul.f32 v6, v6;
	v6 =	vsub.f32 v12, v7;
	v7 =	vld.idx.msk [tilespmem:v17+s17+$0x0], $0xffff  }
0x111: {  	v17 =	vor.u32 $0x11, v3;
	v12 =	vld.idx.msk [tilespmem:v14+s16+$0x0], $0xffff  }
0x112: {  	v4 =	vadd.f32 v5, v4;
	v5 =	vmul.f32 v6, v6;
	v6 =	vsub.f32 v13, v9;
	v9 =	vld.idx.msk [tilespmem:v14+s17+$0x0], $0xffff  }
0x113: {  	v14 =	vor.u32 $0x12, v3;
	v13 =	vld.idx.msk [tilespmem:v15+s16+$0x0], $0xffff  }
0x114: {  	v4 =	vadd.f32 v5, v4;
	v5 =	vmul.f32 v6, v6;
	v6 =	vsub.f32 v10, v8;
	v8 =	vld.idx.msk [tilespmem:v15+s17+$0x0], $0xffff  }
0x115: {  	v15 =	vor.u32 $0x13, v3;
	v10 =	vld.idx.msk [tilespmem:v16+s16+$0x0], $0xffff  }
0x116: {  	v4 =	vadd.f32 v5, v4;
	v5 =	vmul.f32 v6, v6;
	v6 =	vsub.f32 v11, v7;
	v7 =	vld.idx.msk [tilespmem:v16+s17+$0x0], $0xffff  }
0x117: {  	v16 =	vor.u32 $0x14, v3;
	v11 =	vld.idx.msk [tilespmem:v17+s16+$0x0], $0xffff  }
0x118: {  	v4 =	vadd.f32 v5, v4;
	v5 =	vmul.f32 v6, v6;
	v6 =	vsub.f32 v12, v9;
	v9 =	vld.idx.msk [tilespmem:v17+s17+$0x0], $0xffff  }
0x119: {  	v17 =	vor.u32 $0x15, v3;
	v12 =	vld.idx.msk [tilespmem:v14+s16+$0x0], $0xffff  }
0x11a: {  	v4 =	vadd.f32 v5, v4;
	v5 =	vmul.f32 v6, v6;
	v6 =	vsub.f32 v13, v8;
	v8 =	vld.idx.msk [tilespmem:v14+s17+$0x0], $0xffff  }
0x11b: {  	v14 =	vor.u32 $0x16, v3;
	v13 =	vld.idx.msk [tilespmem:v15+s16+$0x0], $0xffff  }
0x11c: {  	v4 =	vadd.f32 v5, v4;
	v5 =	vmul.f32 v6, v6;
	v6 =	vsub.f32 v10, v7;
	v7 =	vld.idx.msk [tilespmem:v15+s17+$0x0], $0xffff  }
0x11d: {  	v15 =	vor.u32 $0x17, v3;
	v10 =	vld.idx.msk [tilespmem:v16+s16+$0x0], $0xffff  }
0x11e: {  	v4 =	vadd.f32 v5, v4;
	v5 =	vmul.f32 v6, v6;
	v6 =	vsub.f32 v11, v9;
	v9 =	vld.idx.msk [tilespmem:v16+s17+$0x0], $0xffff  }
0x11f: {  	v16 =	vor.u32 $0x18, v3;
	v11 =	vld.idx.msk [tilespmem:v17+s16+$0x0], $0xffff  }
0x120: {  	v4 =	vadd.f32 v5, v4;
	v5 =	vmul.f32 v6, v6;
	v6 =	vsub.f32 v12, v8;
	v8 =	vld.idx.msk [tilespmem:v17+s17+$0x0], $0xffff  }
0x121: {  	v17 =	vor.u32 $0x19, v3;
	v12 =	vld.idx.msk [tilespmem:v14+s16+$0x0], $0xffff  }
0x122: {  	v4 =	vadd.f32 v5, v4;
	v5 =	vmul.f32 v6, v6;
	v6 =	vsub.f32 v13, v7;
	v7 =	vld.idx.msk [tilespmem:v14+s17+$0x0], $0xffff  }
0x123: {  	v14 =	vor.u32 $0x1A, v3;
	v13 =	vld.idx.msk [tilespmem:v15+s16+$0x0], $0xffff  }
0x124: {  	v4 =	vadd.f32 v5, v4;
	v5 =	vmul.f32 v6, v6;
	v6 =	vsub.f32 v10, v9;
	v9 =	vld.idx.msk [tilespmem:v15+s17+$0x0], $0xffff  }
0x125: {  	v15 =	vor.u32 $0x1B, v3;
	v10 =	vld.idx.msk [tilespmem:v16+s16+$0x0], $0xffff  }
0x126: {  	v4 =	vadd.f32 v5, v4;
	v5 =	vmul.f32 v6, v6;
	v6 =	vsub.f32 v11, v8;
	v8 =	vld.idx.msk [tilespmem:v16+s17+$0x0], $0xffff  }
0x127: {  	v16 =	vor.u32 $0x1C, v3;
	v11 =	vld.idx.msk [tilespmem:v17+s16+$0x0], $0xffff  }
0x128: {  	v4 =	vadd.f32 v5, v4;
	v5 =	vmul.f32 v6, v6;
	v6 =	vsub.f32 v12, v7;
	v7 =	vld.idx.msk [tilespmem:v17+s17+$0x0], $0xffff  }
0x129: {  	v17 =	vor.u32 $0x1D, v3;
	v12 =	vld.idx.msk [tilespmem:v14+s16+$0x0], $0xffff  }
0x12a: {  	v4 =	vadd.f32 v5, v4;
	v5 =	vmul.f32 v6, v6;
	v6 =	vsub.f32 v13, v9;
	v9 =	vld.idx.msk [tilespmem:v14+s17+$0x0], $0xffff  }
0x12b: {  	v14 =	vor.u32 $0x1E, v3;
	v13 =	vld.idx.msk [tilespmem:v15+s16+$0x0], $0xffff  }
0x12c: {  	v4 =	vadd.f32 v5, v4;
	v5 =	vmul.f32 v6, v6;
	v6 =	vsub.f32 v10, v8;
	v8 =	vld.idx.msk [tilespmem:v15+s17+$0x0], $0xffff  }
0x12d: {  	v3 =	vor.u32 $0x1F, v3;
	v10 =	vld.idx.msk [tilespmem:v16+s16+$0x0], $0xffff  }
0x12e: {  	v4 =	vadd.f32 v5, v4;
	v5 =	vmul.f32 v6, v6;
	v6 =	vsub.f32 v11, v7;
	v7 =	vld.idx.msk [tilespmem:v16+s17+$0x0], $0xffff  }
0x12f: {  	v11 =	vld.idx.msk [tilespmem:v17+s16+$0x0], $0xffff  }
0x130: {  	v4 =	vadd.f32 v5, v4;
	v5 =	vmul.f32 v6, v6;
	v6 =	vsub.f32 v12, v9;
	v9 =	vld.idx.msk [tilespmem:v17+s17+$0x0], $0xffff  }
0x131: {  	v12 =	vld.idx.msk [tilespmem:v14+s16+$0x0], $0xffff  }
0x132: {  	v4 =	vadd.f32 v5, v4;
	v5 =	vmul.f32 v6, v6;
	v6 =	vsub.f32 v13, v8;
	v8 =	vld.idx.msk [tilespmem:v14+s17+$0x0], $0xffff  }
0x133: {  	v13 =	vld.idx.msk [tilespmem:v3+s16+$0x0], $0xffff  }
0x134: {  	v4 =	vadd.f32 v5, v4;
	v5 =	vmul.f32 v6, v6;
	v6 =	vsub.f32 v10, v7;
	v3 =	vld.idx.msk [tilespmem:v3+s17+$0x0], $0xffff;
	_ =	sdelay $0x1  }
0x135: {  	v4 =	vadd.f32 v5, v4;
	v5 =	vmul.f32 v6, v6;
	v6 =	vsub.f32 v11, v9;
	_ =	sdelay $0x1  }
0x136: {  	v4 =	vadd.f32 v5, v4;
	v5 =	vmul.f32 v6, v6;
	v6 =	vsub.f32 v12, v8  }
.Ltmp0:
0x137: {  	s24 =	sadd.s32 $0x10, s24;
	(pc) =	sbr.rel @p1 .LBB2_2-.Ltmp0, $4  }
0x138: {  	v5 =	vadd.f32 v5, v4;
	v6 =	vmul.f32 v6, v6;
	v3 =	vsub.f32 v13, v3;
	v4 =	vld [tilespmem:s24+$0x0]  }
0x139: {  	v7 =	vmov s26  }
0x13a: {  	v7 =	vshll.u32 v7, $0x5;
	v5 =	vadd.f32 v6, v5;
	v6 =	vmul.f32 v3, v3  }
0x13b: {  	s26 =	sadd.s32 $0x10, s26;
	v3 =	vor.u32 v1, v7  }
0x13c: {  	v5 =	vadd.f32 v6, v5  }
0x13d: {  	v39 =	vor.u32 $0x1, v3;
	vm0 =	vlt.s32 v4, $0x2000  }
0x13e: {  	s25 =	sadd.s32 $0x10, s25;
	v4 =	vnsel vm0, $0x0, v5  }
0x13f: {  	v40 =	vor.u32 $0x2, v3;
	[tilespmem:s25+$0x0] =	vst v4  }
0x140: {  	v7 =	vld.idx.msk [tilespmem:v3+s17+$0x0], $0xffff  }
0x141: {  	v9 =	vor.u32 $0x3, v3;
	v8 =	vld.idx.msk [tilespmem:v3+s16+$0x0], $0xffff  }
0x142: {  	v10 =	vld.idx.msk [tilespmem:v39+s16+$0x0], $0xffff  }
0x143: {  	v11 =	vor.u32 $0x4, v3;
	v6 =	vld.idx.msk [tilespmem:v39+s17+$0x0], $0xffff  }
0x144: {  	v12 =	vld.idx.msk [tilespmem:v40+s16+$0x0], $0xffff  }
0x145: {  	v13 =	vor.u32 $0x5, v3;
	v5 =	vld.idx.msk [tilespmem:v40+s17+$0x0], $0xffff  }
0x146: {  	v14 =	vld.idx.msk [tilespmem:v9+s16+$0x0], $0xffff  }
0x147: {  	v15 =	vor.u32 $0x6, v3;
	v9 =	vld.idx.msk [tilespmem:v9+s17+$0x0], $0xffff  }
0x148: {  	v16 =	vld.idx.msk [tilespmem:v11+s16+$0x0], $0xffff;
	v7 =	vsub.f32 v8, v7;
	v6 =	vsub.f32 v10, v6  }
0x149: {  	v42 =	vor.u32 $0x7, v3;
	v41 =	vld.idx.msk [tilespmem:v11+s17+$0x0], $0xffff  }
0x14a: {  	v43 =	vld.idx.msk [tilespmem:v13+s16+$0x0], $0xffff;
	v5 =	vsub.f32 v12, v5;
	v7 =	vmul.f32 v7, v7;
	v6 =	vmul.f32 v6, v6  }
0x14b: {  	v44 =	vor.u32 $0x8, v3;
	v13 =	vld.idx.msk [tilespmem:v13+s17+$0x0], $0xffff  }
0x14c: {  	v17 =	vld.idx.msk [tilespmem:v15+s16+$0x0], $0xffff;
	v45 =	vsub.f32 v14, v9;
	v5 =	vmul.f32 v5, v5;
	v6 =	vadd.f32 v6, v7  }
0x14d: {  	v46 =	vor.u32 $0x9, v3;
	v47 =	vld.idx.msk [tilespmem:v15+s17+$0x0], $0xffff  }
0x14e: {  	v48 =	vld.idx.msk [tilespmem:v42+s16+$0x0], $0xffff;
	v50 =	vsub.f32 v16, v41;
	v49 =	vmul.f32 v45, v45;
	v5 =	vadd.f32 v5, v6  }
0x14f: {  	v51 =	vor.u32 $0xA, v3;
	v10 =	vld.idx.msk [tilespmem:v42+s17+$0x0], $0xffff  }
0x150: {  	v52 =	vld.idx.msk [tilespmem:v44+s16+$0x0], $0xffff;
	v54 =	vsub.f32 v43, v13;
	v53 =	vmul.f32 v50, v50;
	v5 =	vadd.f32 v49, v5  }
0x151: {  	v55 =	vor.u32 $0xB, v3;
	v12 =	vld.idx.msk [tilespmem:v44+s17+$0x0], $0xffff  }
0x152: {  	v56 =	vld.idx.msk [tilespmem:v46+s16+$0x0], $0xffff;
	v58 =	vsub.f32 v17, v47;
	v57 =	vmul.f32 v54, v54;
	v5 =	vadd.f32 v53, v5  }
0x153: {  	v59 =	vor.u32 $0xC, v3;
	v9 =	vld.idx.msk [tilespmem:v46+s17+$0x0], $0xffff  }
0x154: {  	v60 =	vld.idx.msk [tilespmem:v51+s16+$0x0], $0xffff;
	v61 =	vmul.f32 v58, v58;
	v62 =	vsub.f32 v48, v10;
	v5 =	vadd.f32 v57, v5  }
0x155: {  	v63 =	vor.u32 $0xD, v3;
	v8 =	vld.idx.msk [tilespmem:v51+s17+$0x0], $0xffff  }
0x156: {  	v20 =	vld.idx.msk [tilespmem:v55+s16+$0x0], $0xffff;
	v22 =	vsub.f32 v52, v12;
	v21 =	vmul.f32 v62, v62;
	v5 =	vadd.f32 v61, v5  }
0x157: {  	v23 =	vor.u32 $0xE, v3;
	v11 =	vld.idx.msk [tilespmem:v55+s17+$0x0], $0xffff  }
0x158: {  	v24 =	vld.idx.msk [tilespmem:v59+s16+$0x0], $0xffff;
	v26 =	vsub.f32 v56, v9;
	v25 =	vmul.f32 v22, v22;
	v5 =	vadd.f32 v21, v5  }
0x159: {  	v27 =	vor.u32 $0xF, v3;
	v28 =	vld.idx.msk [tilespmem:v59+s17+$0x0], $0xffff  }
0x15a: {  	v29 =	vld.idx.msk [tilespmem:v63+s16+$0x0], $0xffff;
	v31 =	vsub.f32 v60, v8;
	v30 =	vmul.f32 v26, v26;
	v5 =	vadd.f32 v25, v5  }
0x15b: {  	v32 =	vor.u32 $0x10, v3;
	v10 =	vld.idx.msk [tilespmem:v63+s17+$0x0], $0xffff  }
0x15c: {  	v33 =	vld.idx.msk [tilespmem:v23+s16+$0x0], $0xffff;
	v35 =	vsub.f32 v20, v11;
	v34 =	vmul.f32 v31, v31;
	v5 =	vadd.f32 v30, v5  }
0x15d: {  	v36 =	vor.u32 $0x11, v3;
	v12 =	vld.idx.msk [tilespmem:v23+s17+$0x0], $0xffff  }
0x15e: {  	v37 =	vld.idx.msk [tilespmem:v27+s16+$0x0], $0xffff;
	v39 =	vsub.f32 v24, v28;
	v38 =	vmul.f32 v35, v35;
	v5 =	vadd.f32 v34, v5  }
0x15f: {  	v40 =	vor.u32 $0x12, v3;
	v9 =	vld.idx.msk [tilespmem:v27+s17+$0x0], $0xffff  }
0x160: {  	v41 =	vld.idx.msk [tilespmem:v32+s16+$0x0], $0xffff;
	v42 =	vmul.f32 v39, v39;
	v43 =	vsub.f32 v29, v10;
	v5 =	vadd.f32 v38, v5  }
0x161: {  	v44 =	vor.u32 $0x13, v3;
	v8 =	vld.idx.msk [tilespmem:v32+s17+$0x0], $0xffff  }
0x162: {  	v11 =	vld.idx.msk [tilespmem:v36+s17+$0x0], $0xffff;
	v47 =	vsub.f32 v33, v12;
	v46 =	vmul.f32 v43, v43;
	v5 =	vadd.f32 v42, v5  }
0x163: {  	v45 =	vld.idx.msk [tilespmem:v36+s16+$0x0], $0xffff;
	v48 =	vor.u32 $0x14, v3  }
0x164: {  	v13 =	vld.idx.msk [tilespmem:v40+s17+$0x0], $0xffff;
	v51 =	vsub.f32 v37, v9;
	v50 =	vmul.f32 v47, v47;
	v5 =	vadd.f32 v46, v5  }
0x165: {  	v52 =	vor.u32 $0x15, v3;
	v49 =	vld.idx.msk [tilespmem:v40+s16+$0x0], $0xffff  }
0x166: {  	v55 =	vsub.f32 v41, v8;
	v53 =	vld.idx.msk [tilespmem:v44+s16+$0x0], $0xffff;
	v54 =	vmul.f32 v51, v51;
	v5 =	vadd.f32 v50, v5  }
0x167: {  	v56 =	vor.u32 $0x16, v3;
	v10 =	vld.idx.msk [tilespmem:v44+s17+$0x0], $0xffff  }
0x168: {  	v59 =	vsub.f32 v45, v11;
	v12 =	vld.idx.msk [tilespmem:v48+s17+$0x0], $0xffff;
	v58 =	vmul.f32 v55, v55;
	v5 =	vadd.f32 v54, v5  }
0x169: {  	v60 =	vor.u32 $0x17, v3;
	v57 =	vld.idx.msk [tilespmem:v48+s16+$0x0], $0xffff  }
0x16a: {  	v62 =	vmul.f32 v59, v59;
	v9 =	vld.idx.msk [tilespmem:v52+s17+$0x0], $0xffff;
	v63 =	vsub.f32 v49, v13;
	v5 =	vadd.f32 v58, v5  }
0x16b: {  	v20 =	vor.u32 $0x18, v3;
	v61 =	vld.idx.msk [tilespmem:v52+s16+$0x0], $0xffff  }
0x16c: {  	v8 =	vld.idx.msk [tilespmem:v56+s17+$0x0], $0xffff;
	v22 =	vmul.f32 v63, v63;
	v23 =	vsub.f32 v53, v10;
	v5 =	vadd.f32 v62, v5  }
0x16d: {  	v24 =	vor.u32 $0x19, v3;
	v21 =	vld.idx.msk [tilespmem:v56+s16+$0x0], $0xffff  }
0x16e: {  	v11 =	vld.idx.msk [tilespmem:v60+s17+$0x0], $0xffff;
	v26 =	vmul.f32 v23, v23;
	v27 =	vsub.f32 v57, v12;
	v5 =	vadd.f32 v22, v5  }
0x16f: {  	v28 =	vor.u32 $0x1A, v3;
	v25 =	vld.idx.msk [tilespmem:v60+s16+$0x0], $0xffff  }
0x170: {  	v29 =	vld.idx.msk [tilespmem:v20+s16+$0x0], $0xffff;
	v31 =	vsub.f32 v61, v9;
	v30 =	vmul.f32 v27, v27;
	v5 =	vadd.f32 v26, v5  }
0x171: {  	v32 =	vor.u32 $0x1B, v3;
	v13 =	vld.idx.msk [tilespmem:v20+s17+$0x0], $0xffff  }
0x172: {  	v33 =	vld.idx.msk [tilespmem:v24+s16+$0x0], $0xffff;
	v35 =	vsub.f32 v21, v8;
	v34 =	vmul.f32 v31, v31;
	v5 =	vadd.f32 v30, v5  }
0x173: {  	v36 =	vor.u32 $0x1C, v3;
	v10 =	vld.idx.msk [tilespmem:v24+s17+$0x0], $0xffff  }
0x174: {  	v37 =	vld.idx.msk [tilespmem:v28+s16+$0x0], $0xffff;
	v39 =	vsub.f32 v25, v11;
	v38 =	vmul.f32 v35, v35;
	v5 =	vadd.f32 v34, v5  }
0x175: {  	v40 =	vor.u32 $0x1D, v3;
	v12 =	vld.idx.msk [tilespmem:v28+s17+$0x0], $0xffff  }
0x176: {  	v41 =	vld.idx.msk [tilespmem:v32+s16+$0x0], $0xffff;
	v43 =	vsub.f32 v29, v13;
	v42 =	vmul.f32 v39, v39;
	v5 =	vadd.f32 v38, v5  }
0x177: {  	v44 =	vor.u32 $0x1E, v3;
	v9 =	vld.idx.msk [tilespmem:v32+s17+$0x0], $0xffff  }
0x178: {  	v45 =	vld.idx.msk [tilespmem:v36+s16+$0x0], $0xffff;
	v47 =	vsub.f32 v33, v10;
	v46 =	vmul.f32 v43, v43;
	v5 =	vadd.f32 v42, v5  }
0x179: {  	v3 =	vor.u32 $0x1F, v3;
	v8 =	vld.idx.msk [tilespmem:v36+s17+$0x0], $0xffff  }
0x17a: {  	v48 =	vld.idx.msk [tilespmem:v40+s16+$0x0], $0xffff;
	v49 =	vmul.f32 v47, v47;
	v50 =	vsub.f32 v37, v12;
	v5 =	vadd.f32 v46, v5  }
0x17b: {  	v11 =	vld.idx.msk [tilespmem:v40+s17+$0x0], $0xffff  }
0x17c: {  	v51 =	vld.idx.msk [tilespmem:v44+s16+$0x0], $0xffff;
	v53 =	vsub.f32 v41, v9;
	v52 =	vmul.f32 v50, v50;
	v5 =	vadd.f32 v49, v5  }
0x17d: {  	v54 =	vld.idx.msk [tilespmem:v44+s17+$0x0], $0xffff  }
0x17e: {  	v55 =	vld.idx.msk [tilespmem:v3+s16+$0x0], $0xffff;
	v56 =	vmul.f32 v53, v53;
	v57 =	vsub.f32 v45, v8;
	v5 =	vadd.f32 v52, v5  }
0x17f: {  	v3 =	vld.idx.msk [tilespmem:v3+s17+$0x0], $0xffff  }
0x180: {  	v59 =	vsub.f32 v48, v11;
	v58 =	vmul.f32 v57, v57;
	v5 =	vadd.f32 v56, v5;
	_ =	sdelay $0x1  }
0x181: {  	v60 =	vmul.f32 v59, v59;
	v61 =	vsub.f32 v51, v54;
	v5 =	vadd.f32 v58, v5  }
0x182: {  	s24 =	sadd.s32 $0x10, s24  }
0x183: {  	v63 =	vld [tilespmem:s24+$0x0];
	v3 =	vsub.f32 v55, v3;
	v62 =	vmul.f32 v61, v61;
	v5 =	vadd.f32 v60, v5;
	_ =	sdelay $0x1  }
0x184: {  	v3 =	vmul.f32 v3, v3;
	v5 =	vadd.f32 v62, v5;
	_ =	sdelay $0x1  }
0x185: {  	v3 =	vadd.f32 v3, v5  }
0x186: {  	v2 =	vadd.f32 v4, v2;
	vm15 =	vlt.s32 v63, $0x2000  }
0x187: {  	v3 =	vnsel vm15, $0x0, v3  }
0x188: {  	s31 =	sadd.s32 $0x10, s25;
	v2 =	vadd.f32 v3, v2  }
0x189: {  	[tilespmem:s31+$0x0] =	vst v3  }
0x18a: {  	[tilespmem:$0x4300] =	vst v2  }
0x18b: {  	[hbm4b:s9+s2] =	stream.linear.scatter [tilespmem:s20], [sflag:$0x2], $0x10, $0x38;
	[tilespmem:$0x47D0] =	vst v63  }
0x18c: {  	_ =	swait.ge [sflag:s14], $0x10  }
0x18d: {  	[sflag:s14] =	ssyncset.done $0x0  }
0x18e: {  	[sflag:s14] =	ssyncadd.s32 $0xFFFFFFF0  }
0x18f: {  	[hbm4b:s10+s2] =	stream.linear.scatter [tilespmem:s21], [sflag:$0x2], $0x100, $0x38;
	[tilespmem:$0x47D0] =	vst v63  }
0x190: {  	_ =	swait.ge [sflag:s14], $0x100  }
0x191: {  	[sflag:s14] =	ssyncset.done $0x0  }
0x192: {  	[sflag:s14] =	ssyncadd.s32 $0xFFFFFF00  }
0x193: {  	[bflag:$0x0] =	sbarrier.arrive $0xFFFF  }
0x194: {  	[spmem:s1] =	stream.indirect.scatter.add.f32 [tilespmem:s22], [sflag:$0x2], $0x1, s2, s15, $0xb8;
	[tilespmem:$0x47D0] =	vst v63  }
0x195: {  	_ =	swait.ge [sflag:s14], $0x80  }
0x196: {  	[sflag:s14] =	ssyncset.done $0x0  }
0x197: {  	[sflag:s14] =	ssyncadd.s32 $0xFFFFFF80  }
0x198: {  	[spmem:s1] =	stream.indirect.scatter.add.f32 [tilespmem:s22], [sflag:$0x2], $0x1, s15, s15, $0xb8;
	[tilespmem:$0x47D0] =	vst v63  }
0x199: {  	_ =	swait.ge [sflag:s14], $0x80  }
0x19a: {  	s23 =	sadd.s32 $0x1, s23;
	[sflag:s14] =	ssyncset.done $0x0  }
0x19b: {  	p1 =	sne.s32 s23, s12;
	[sflag:s14] =	ssyncadd.s32 $0xFFFFFF80  }
0x19c: {  	s25 =	simm.s32 @!p0 $0x1C02;
	s24 =	sshrl.u32 @!p0 s1, $0x3;
	[bflag:$0x0] =	sbarrier.arrive $0xFFFF  }
0x19d: {  	[hbm:s11], [sflag:s25] =	dma.local @!p0 [spmem:s24], $0x440  }
.Ltmp1:
0x19e: {  	_ = 	snop;
	(pc) =	sbr.rel @p1 .LBB2_1-.Ltmp1, $4  }
0x19f: {  	s24 =	simm.s32 @!p0 $0x2  }
0x1a0: {  	_ =	swait.ge @!p0 [sflag:s24], $0x440  }
0x1a1: {  	[sflag:s24] =	ssyncset.done @!p0 $0x0  }
0x1a2: {  	[sflag:s24] =	ssyncadd.s32 @!p0 $0xFFFFFBC0  }
0x1a3: {  	_ =	sfence.sel $0x180000  }
0x1a4: {  	[bflag:$0x0] =	sbarrier.arrive $0xFFFF  }
0x1a5: {  	_ =	strace $0x90000047  }
0x1a6: {  	s0 =	sadd.s32 @!p0 $0x100000, s0;
	[bflag:$0x2] =	sbarrier.arrive $0xFFFF  }
0x1a7: {  	[sflag:s0] =	ssyncadd.tile.s32 @!p0 $0x1;
	_ =	shalt  }
.Lfunc_end2:
_tile_overlayer_lowered:
.L_overlay_start_2:
0x1a8: {  	(tag) =	ssettag $0x2  }
0x1a9: {  	s0 =	rddreg [dreg:$0x0];
	s2 =	stileid.u32  }
0x1aa: {  	s1 =	rddreg [dreg:$0x1];
	p0 =	sne.s32 s2, $0x0  }
0x1ab: {  	s3 =	rddreg [dreg:$0x2];
	[bflag:$0x3] =	sbarrier.arrive $0xFFFF;
	s2 =	simm.s32 @!p0 $0x1C02  }
0x1ac: {  	[timem:s3], [sflag:s2] =	dma.local @!p0 [hbm:s0], s1  }
0x1ad: {  	s0 =	simm.s32 @!p0 $0x2  }
0x1ae: {  	_ =	swait.ge @!p0 [sflag:s0], s1  }
0x1af: {  	s1 =	ssub.s32 @!p0 $0x0, s1;
	[sflag:s0] =	ssyncset.done @!p0 $0x0  }
0x1b0: {  	[sflag:s0] =	ssyncadd.s32 @!p0 s1  }
0x1b1: {  	[bflag:$0x3] =	sbarrier.arrive $0xFFFF  }
0x1b2: {  	_ =	shalt  }

</sc_bundles>
